<compile_context>
chip_gen: v7x
topology: tpu7x:2x2x1
jax: 0.10.2.dev20260603
libtpu: 0.0.44.dev20260713+nightly
codegen_flags: <defaults>
</compile_context>

<pallas_src>
import functools
import math

import jax
import jax.numpy as jnp
from jax import lax
from jax.experimental import pallas as pl
from jax.experimental.pallas import tpu as pltpu
from jax.experimental.pallas import tpu_sc as plsc

_NC, _NS = 2, 16
_NW = _NC * _NS


def _cdiv(a, b):
  return (a + b - 1) // b


def _mm(x, w, *, bias=None, act=None, mask=None, mb=None):
  M, K = x.shape
  N = w.shape[1]
  if mb is None or mb >= M:
    mb = M
  grid = (_cdiv(M, mb),)
  in_specs = [
      pl.BlockSpec((mb, K), lambda i: (i, 0)),
      pl.BlockSpec((K, N), lambda i: (0, 0)),
  ]
  args = [x, w]
  if bias is not None:
    in_specs.append(pl.BlockSpec((1, N), lambda i: (0, 0)))
    args.append(bias.reshape(1, N))
  if mask is not None:
    in_specs.append(pl.BlockSpec((mb, 1), lambda i: (i, 0)))
    args.append(mask)

  def kern(*refs):
    x_ref, w_ref = refs[0], refs[1]
    o_ref = refs[-1]
    acc = jnp.dot(x_ref[...], w_ref[...], preferred_element_type=jnp.float32)
    p = 2
    if bias is not None:
      acc = acc + refs[p][...]
      p += 1
    if act == 'elu':
      acc = jnp.where(acc > 0, acc, jnp.exp(jnp.minimum(acc, 0.0)) - 1.0)
    if mask is not None:
      acc = acc * refs[p][...]
      p += 1
    o_ref[...] = acc

  return pl.pallas_call(
      kern,
      grid=grid,
      in_specs=in_specs,
      out_specs=pl.BlockSpec((mb, N), lambda i: (i, 0)),
      out_shape=jax.ShapeDtypeStruct((M, N), jnp.float32),
  )(*args)


def _up_mm(Ut, hcol, nb, out_dtype=jnp.float32):
  K, M = Ut.shape
  BF = hcol.shape[1]
  if nb is None or nb >= M:
    nb = M
  grid = (_cdiv(M, nb),)

  def kern(u_ref, h_ref, o_ref):
    acc = lax.dot_general(
        u_ref[...], h_ref[...], (((0,), (0,)), ((), ())),
        preferred_element_type=jnp.float32)
    o_ref[...] = acc.astype(out_dtype)

  return pl.pallas_call(
      kern,
      grid=grid,
      in_specs=[
          pl.BlockSpec((K, nb), lambda i: (0, i)),
          pl.BlockSpec((K, BF), lambda i: (0, 0)),
      ],
      out_specs=pl.BlockSpec((nb, BF), lambda i: (i, 0)),
      out_shape=jax.ShapeDtypeStruct((M, BF), out_dtype),
  )(Ut, hcol)


def _conv_mm(g2d, w3, bias, act, mask, mb, sl):
  Gp, BF = g2d.shape
  R = Gp // sl
  OC2 = w3.shape[2]
  grid = (_cdiv(R, mb),)

  def kern(x_ref, w_ref, b_ref, m_ref, o_ref):
    x3 = x_ref[...].reshape(mb, sl, BF)
    acc = jnp.dot(x3[:, 0, :], w_ref[0], preferred_element_type=jnp.float32)
    for s in range(1, sl):
      acc += jnp.dot(x3[:, s, :], w_ref[s], preferred_element_type=jnp.float32)
    acc = acc + b_ref[...]
    if act == 'elu':
      acc = jnp.where(acc > 0, acc, jnp.exp(jnp.minimum(acc, 0.0)) - 1.0)
    o_ref[...] = acc * m_ref[...]

  return pl.pallas_call(
      kern,
      grid=grid,
      in_specs=[
          pl.BlockSpec((mb * sl, BF), lambda i: (i, 0)),
          pl.BlockSpec((sl, BF, OC2), lambda i: (0, 0, 0)),
          pl.BlockSpec((1, OC2), lambda i: (0, 0)),
          pl.BlockSpec((mb, 1), lambda i: (i, 0)),
      ],
      out_specs=pl.BlockSpec((mb, OC2), lambda i: (i, 0)),
      out_shape=jax.ShapeDtypeStruct((R, OC2), jnp.float32),
  )(g2d, w3, bias.reshape(1, OC2), mask)


def _sc_gather(table, gidx, F, C, nch):
  Gp = gidx.shape[0]
  assert Gp == nch * C
  dt = table.dtype
  rounds = _cdiv(nch, _NW)
  mesh = plsc.VectorSubcoreMesh(
      core_axis_name="c", subcore_axis_name="s",
      num_cores=_NC, num_subcores=_NS)

  @functools.partial(
      pl.kernel,
      out_type=jax.ShapeDtypeStruct((Gp, F), dt),
      mesh=mesh,
      scratch_types=[
          pltpu.VMEM((C,), jnp.int32),
          pltpu.VMEM((C, F), dt),
          pltpu.SemaphoreType.DMA,
      ],
  )
  def gk(table_hbm, gidx_hbm, out_hbm, idx_v, rows_v, sem):
    wid = lax.axis_index("s") * _NC + lax.axis_index("c")

    def body(j, carry):
      ch = j * _NW + wid

      @pl.when(ch < nch)
      def _():
        base = ch * C
        pltpu.sync_copy(gidx_hbm.at[pl.ds(base, C)], idx_v)
        pltpu.async_copy(table_hbm.at[idx_v], rows_v, sem).wait()
        pltpu.sync_copy(rows_v, out_hbm.at[pl.ds(base, C)])

      return carry

    lax.fori_loop(0, rounds, body, 0)

  return gk(table, gidx)


_LEVEL_TUNE = [
    (128, None, 640, jnp.float32),
    (256, None, 640, jnp.float32),
    (512, 1024, 1264, jnp.float32),
]


def kernel(x, W_fc, b_fc, U0, U1, U2, S0, S1, S2, Wc0, bc0, Wc1, bc1, Wc2, bc2):
  B = x.shape[0]
  h = _mm(x, W_fc, bias=b_fc)
  M_in = U2.shape[1]
  F_in = h.shape[1] // M_in
  hcol = h.reshape(B, M_in, F_in).transpose(1, 0, 2).reshape(M_in, B * F_in)

  specs = [
      (U2, S2, Wc0, bc0, 'elu'),
      (U1, S1, Wc1, bc1, 'elu'),
      (U0, S0, Wc2, bc2, None),
  ]
  out_col = None
  for (U, S, Wc, bc, act), (C, nb_up, mb_cv, gdt) in zip(specs, _LEVEL_TUNE):
    M = U.shape[0]
    F = hcol.shape[1] // B
    sl = S.shape[-1]
    OC = Wc.shape[1]

    y = _up_mm(U.T, hcol, nb_up, out_dtype=gdt)

    gidx = S[0].reshape(-1)
    G = gidx.shape[0]
    step = math.lcm(C, sl)
    Gp = _cdiv(G, step) * step
    nch = Gp // C
    if Gp != G:
      gidx = jnp.concatenate([gidx, jnp.zeros((Gp - G,), jnp.int32)])
    gout = _sc_gather(y, gidx, B * F, C, nch)
    R = Gp // sl

    W3 = Wc.reshape(sl, F, OC)
    b2 = jnp.tile(bc, B)

    rows = jnp.arange(R, dtype=jnp.int32)
    mcol = jnp.where(rows == M - 1, 0.0, 1.0).astype(jnp.float32).reshape(R, 1)

    eyeB = jnp.eye(B, dtype=jnp.float32)
    W2 = jnp.einsum('sco,bd->sbcdo', W3, eyeB).reshape(sl, B * F, B * OC)
    out_col = _conv_mm(gout, W2, b2, act, mcol, mb_cv, sl)
    hcol = out_col[:M]
    M_last, OC_last = M, OC
  return (out_col[:M_last]
          .reshape(M_last, B, OC_last)
          .transpose(1, 0, 2))

# --- scband reference (transcript-rebuilt; emitter-appended) ---
"""Pipeline reference for scband-decoder-spirals-82231443849262 (READ-ONLY COPY).

The authoritative reference and input builder live on the scoring server;
editing this copy changes nothing except your own understanding.
"""

import jax, jax.numpy as jnp
import numpy as np

SIZES = [10000, 2500, 625, 157]
SPIRAL_SIZES = [20, 15, 12, 10]
FILTERS = [64, 32, 16, 3]
LATENT = 128
BATCH = 8


def _spiral_conv(x, spiral, W, b, act):
    bs, n, f = x.shape
    sl = spiral.shape[-1]
    idx = spiral[0].reshape(-1)
    g = x[:, idx, :].reshape(bs, n, sl * f)
    out = g @ W + b
    if act == 'elu':
        out = jax.nn.elu(out)
    mask = jnp.ones((1, n, 1), dtype=x.dtype).at[0, n - 1, 0].set(0.0)
    return out * mask


def setup_inputs(seed: int = 0) -> dict:
    key = jax.random.key(seed)
    ks = jax.random.split(key, 20)
    inp = {}
    inp['x'] = jax.random.normal(ks[0], (BATCH, LATENT), dtype=jnp.float32)
    inp['W_fc'] = jax.random.normal(ks[1], (LATENT, (SIZES[-1] + 1) * FILTERS[0]), dtype=jnp.float32) * 0.05
    inp['b_fc'] = jnp.zeros(((SIZES[-1] + 1) * FILTERS[0],), dtype=jnp.float32)
    for i in range(3):
        inp['U%d' % i] = jax.random.uniform(ks[2 + i], (SIZES[i] + 1, SIZES[i + 1] + 1), dtype=jnp.float32) * (2.0 / (SIZES[i + 1] + 1))
    for k in range(3):
        inp['S%d' % k] = jax.random.randint(ks[5 + k], (1, SIZES[k] + 1, SPIRAL_SIZES[k]), 0, SIZES[k] + 1, dtype=jnp.int32)
    conv_specs = [(FILTERS[0], SPIRAL_SIZES[2], FILTERS[1]), (FILTERS[1], SPIRAL_SIZES[1], FILTERS[2]), (FILTERS[2], SPIRAL_SIZES[0], FILTERS[3])]
    for j in range(3):
        ic, sl, oc = conv_specs[j]
        inp['Wc%d' % j] = jax.random.normal(ks[8 + j], (ic * sl, oc), dtype=jnp.float32) * 0.05
        inp['bc%d' % j] = jnp.zeros((oc,), dtype=jnp.float32)
    return inp


def reference(x, W_fc, b_fc, U0, U1, U2, S0, S1, S2, Wc0, bc0, Wc1, bc1, Wc2, bc2):
    bs = x.shape[0]
    h = x @ W_fc + b_fc
    h = h.reshape(bs, SIZES[-1] + 1, FILTERS[0])
    Us = [U0, U1, U2]
    Ss = [S0, S1, S2]
    convs = [(Wc0, bc0, 'elu'), (Wc1, bc1, 'elu'), (Wc2, bc2, 'identity')]
    for i in range(3):
        h = jnp.einsum('mn,bnf->bmf', Us[2 - i], h)
        W, b, act = convs[i]
        h = _spiral_conv(h, Ss[2 - i], W, b, act)
    return h

if __name__ == "__main__":
    import jax
    _d = setup_inputs()
    print(jax.jit(kernel)(*tuple(_d.values())))

</pallas_src>

<mosaic_0001>
#map = affine_map<(d0, d1) -> (0, 0)>
#map1 = affine_map<(d0, d1) -> (0)>
module attributes {stable_mosaic.version = 14 : i64} {
  func.func @gk(%arg0: i32, %arg1: i32, %arg2: memref<10001x128xf32, #tpu.memory_space<hbm>>, %arg3: memref<202240xi32, #tpu.memory_space<hbm>>, %arg4: memref<202240x128xf32, #tpu.memory_space<hbm>>, %arg5: memref<512xi32, #tpu.memory_space<vmem>>, %arg6: memref<512x128xf32, #tpu.memory_space<vmem>>, %arg7: memref<!tpu.dma_semaphore, #tpu.memory_space<semaphore_mem>>) attributes {dimension_semantics = [#tpu.dimension_semantics<core_parallel>, #tpu.dimension_semantics<subcore_parallel>], iteration_bounds = array<i64: 2, 16>, scalar_prefetch = 0 : i64, scratch_operands = 3 : i64, tpu.core_type = #tpu.core_type<sc_vector_subcore>, window_params = [{transform_indices = #map}, {transform_indices = #map1}, {transform_indices = #map}]} {
    %mul3A = arith.constant 2 : i32
    %mul3A_0 = arith.muli %arg1, %mul3A : i32
    %add3A = arith.addi %mul3A_0, %arg0 : i32
    %scan3A = arith.constant 0 : i32
    %scan3A_1 = arith.constant 0 : i32
    %scan3A_2 = arith.constant 13 : i32
    %scan3A_3 = arith.addi %scan3A_1, %scan3A_2 : i32
    %scan3A_4 = arith.constant 1 : i32
    scf.for %scan3A_6 = %scan3A_1 to %scan3A_3 step %scan3A_4  : i32 {
      %mul3A_7 = arith.constant 32 : i32
      %mul3A_8 = arith.muli %scan3A_6, %mul3A_7 : i32
      %add3A_9 = arith.addi %mul3A_8, %add3A : i32
      %lt3A = arith.constant 395 : i32
      %lt3A_10 = arith.cmpi slt, %add3A_9, %lt3A : i32
      %convert_element_type3A = arith.extui %lt3A_10 : i1 to i32
      %cond3A = arith.constant 0 : i32
      %cond3A_11 = arith.cmpi ne, %convert_element_type3A, %cond3A : i32
      scf.if %cond3A_11 {
        %mul3A_12 = arith.constant 512 : i32
        %mul3A_13 = arith.muli %add3A_9, %mul3A_12 : i32
        "tpu.region"() ({
          %run_scoped3A = tpu.sem_alloc : memref<!tpu.dma_semaphore, #tpu.memory_space<semaphore_mem>>
          %dma_start3A_18 = tpu.memref_slice %arg3[%mul3A_13] : memref<202240xi32, #tpu.memory_space<hbm>> -> memref<512xi32, #tpu.memory_space<hbm>>
          %dma_start3A_19 = tpu.memref_slice %arg3[%mul3A_13] : memref<202240xi32, #tpu.memory_space<hbm>> -> memref<512xi32, #tpu.memory_space<hbm>>
          tpu.enqueue_dma source(%dma_start3A_19 : memref<512xi32, #tpu.memory_space<hbm>>) target(%arg5 : memref<512xi32, #tpu.memory_space<vmem>>) target_semaphore(%run_scoped3A : memref<!tpu.dma_semaphore, #tpu.memory_space<semaphore_mem>>)
          %dma_wait3A_20 = tpu.memref_slice %arg3[%mul3A_13] : memref<202240xi32, #tpu.memory_space<hbm>> -> memref<512xi32, #tpu.memory_space<hbm>>
          %dma_wait3A_21 = tpu.memref_slice %arg3[%mul3A_13] : memref<202240xi32, #tpu.memory_space<hbm>> -> memref<512xi32, #tpu.memory_space<hbm>>
          tpu.wait_dma2 semaphore(%run_scoped3A : memref<!tpu.dma_semaphore, #tpu.memory_space<semaphore_mem>>) src(%dma_wait3A_21 : memref<512xi32, #tpu.memory_space<hbm>>) dst(%arg5 : memref<512xi32, #tpu.memory_space<vmem>>)
          tpu.yield
        }) : () -> ()
        %dma_start3A = arith.constant 0 : i32
        %dma_start3A_14 = arith.constant 0 : i32
        %dma_start3A_15 = tpu.memref_slice %arg2[%dma_start3A, %dma_start3A_14] : memref<10001x128xf32, #tpu.memory_space<hbm>> -> memref<10001x128xf32, #tpu.memory_space<hbm>>
        tpu.enqueue_indirect_dma source(%dma_start3A_15 : memref<10001x128xf32, #tpu.memory_space<hbm>>) target(%arg6 : memref<512x128xf32, #tpu.memory_space<vmem>>) offsets(%arg5 : memref<512xi32, #tpu.memory_space<vmem>>) semaphore(%arg7 : memref<!tpu.dma_semaphore, #tpu.memory_space<semaphore_mem>>)
        %dma_wait3A = arith.constant 0 : i32
        %dma_wait3A_16 = arith.constant 0 : i32
        %dma_wait3A_17 = tpu.memref_slice %arg2[%dma_wait3A, %dma_wait3A_16] : memref<10001x128xf32, #tpu.memory_space<hbm>> -> memref<10001x128xf32, #tpu.memory_space<hbm>>
        tpu.wait_indirect_dma semaphore(%arg7 : memref<!tpu.dma_semaphore, #tpu.memory_space<semaphore_mem>>) src(%dma_wait3A_17 : memref<10001x128xf32, #tpu.memory_space<hbm>>) dst(%arg6 : memref<512x128xf32, #tpu.memory_space<vmem>>)
        "tpu.region"() ({
          %run_scoped3A = tpu.sem_alloc : memref<!tpu.dma_semaphore, #tpu.memory_space<semaphore_mem>>
          %dma_start3A_18 = arith.constant 0 : i32
          %dma_start3A_19 = tpu.memref_slice %arg4[%mul3A_13, %dma_start3A_18] : memref<202240x128xf32, #tpu.memory_space<hbm>> -> memref<512x128xf32, #tpu.memory_space<hbm>>
          %dma_start3A_20 = arith.constant 0 : i32
          %dma_start3A_21 = tpu.memref_slice %arg4[%mul3A_13, %dma_start3A_20] : memref<202240x128xf32, #tpu.memory_space<hbm>> -> memref<512x128xf32, #tpu.memory_space<hbm>>
          tpu.enqueue_dma source(%arg6 : memref<512x128xf32, #tpu.memory_space<vmem>>) target(%dma_start3A_21 : memref<512x128xf32, #tpu.memory_space<hbm>>) target_semaphore(%run_scoped3A : memref<!tpu.dma_semaphore, #tpu.memory_space<semaphore_mem>>)
          %dma_wait3A_22 = arith.constant 0 : i32
          %dma_wait3A_23 = tpu.memref_slice %arg4[%mul3A_13, %dma_wait3A_22] : memref<202240x128xf32, #tpu.memory_space<hbm>> -> memref<512x128xf32, #tpu.memory_space<hbm>>
          %dma_wait3A_24 = arith.constant 0 : i32
          %dma_wait3A_25 = tpu.memref_slice %arg4[%mul3A_13, %dma_wait3A_24] : memref<202240x128xf32, #tpu.memory_space<hbm>> -> memref<512x128xf32, #tpu.memory_space<hbm>>
          tpu.wait_dma2 semaphore(%run_scoped3A : memref<!tpu.dma_semaphore, #tpu.memory_space<semaphore_mem>>) src(%arg6 : memref<512x128xf32, #tpu.memory_space<vmem>>) dst(%dma_wait3A_25 : memref<512x128xf32, #tpu.memory_space<hbm>>)
          tpu.yield
        }) : () -> ()
      } else {
      }
    }
    %scan3A_5 = arith.constant 13 : i32
    return
  }
}

#map = affine_map<(d0, d1) -> (0, 0)>
#map1 = affine_map<(d0, d1) -> (0)>
module attributes {stable_mosaic.version = 14 : i64} {
  func.func @gk(%arg0: i32, %arg1: i32, %arg2: memref<2501x256xf32, #tpu.memory_space<hbm>>, %arg3: memref<38400xi32, #tpu.memory_space<hbm>>, %arg4: memref<38400x256xf32, #tpu.memory_space<hbm>>, %arg5: memref<256xi32, #tpu.memory_space<vmem>>, %arg6: memref<256x256xf32, #tpu.memory_space<vmem>>, %arg7: memref<!tpu.dma_semaphore, #tpu.memory_space<semaphore_mem>>) attributes {dimension_semantics = [#tpu.dimension_semantics<core_parallel>, #tpu.dimension_semantics<subcore_parallel>], iteration_bounds = array<i64: 2, 16>, scalar_prefetch = 0 : i64, scratch_operands = 3 : i64, tpu.core_type = #tpu.core_type<sc_vector_subcore>, window_params = [{transform_indices = #map}, {transform_indices = #map1}, {transform_indices = #map}]} {
    %mul3A = arith.constant 2 : i32
    %mul3A_0 = arith.muli %arg1, %mul3A : i32
    %add3A = arith.addi %mul3A_0, %arg0 : i32
    %scan3A = arith.constant 0 : i32
    %scan3A_1 = arith.constant 0 : i32
    %scan3A_2 = arith.constant 5 : i32
    %scan3A_3 = arith.addi %scan3A_1, %scan3A_2 : i32
    %scan3A_4 = arith.constant 1 : i32
    scf.for %scan3A_6 = %scan3A_1 to %scan3A_3 step %scan3A_4  : i32 {
      %mul3A_7 = arith.constant 32 : i32
      %mul3A_8 = arith.muli %scan3A_6, %mul3A_7 : i32
      %add3A_9 = arith.addi %mul3A_8, %add3A : i32
      %lt3A = arith.constant 150 : i32
      %lt3A_10 = arith.cmpi slt, %add3A_9, %lt3A : i32
      %convert_element_type3A = arith.extui %lt3A_10 : i1 to i32
      %cond3A = arith.constant 0 : i32
      %cond3A_11 = arith.cmpi ne, %convert_element_type3A, %cond3A : i32
      scf.if %cond3A_11 {
        %mul3A_12 = arith.constant 256 : i32
        %mul3A_13 = arith.muli %add3A_9, %mul3A_12 : i32
        "tpu.region"() ({
          %run_scoped3A = tpu.sem_alloc : memref<!tpu.dma_semaphore, #tpu.memory_space<semaphore_mem>>
          %dma_start3A_18 = tpu.memref_slice %arg3[%mul3A_13] : memref<38400xi32, #tpu.memory_space<hbm>> -> memref<256xi32, #tpu.memory_space<hbm>>
          %dma_start3A_19 = tpu.memref_slice %arg3[%mul3A_13] : memref<38400xi32, #tpu.memory_space<hbm>> -> memref<256xi32, #tpu.memory_space<hbm>>
          tpu.enqueue_dma source(%dma_start3A_19 : memref<256xi32, #tpu.memory_space<hbm>>) target(%arg5 : memref<256xi32, #tpu.memory_space<vmem>>) target_semaphore(%run_scoped3A : memref<!tpu.dma_semaphore, #tpu.memory_space<semaphore_mem>>)
          %dma_wait3A_20 = tpu.memref_slice %arg3[%mul3A_13] : memref<38400xi32, #tpu.memory_space<hbm>> -> memref<256xi32, #tpu.memory_space<hbm>>
          %dma_wait3A_21 = tpu.memref_slice %arg3[%mul3A_13] : memref<38400xi32, #tpu.memory_space<hbm>> -> memref<256xi32, #tpu.memory_space<hbm>>
          tpu.wait_dma2 semaphore(%run_scoped3A : memref<!tpu.dma_semaphore, #tpu.memory_space<semaphore_mem>>) src(%dma_wait3A_21 : memref<256xi32, #tpu.memory_space<hbm>>) dst(%arg5 : memref<256xi32, #tpu.memory_space<vmem>>)
          tpu.yield
        }) : () -> ()
        %dma_start3A = arith.constant 0 : i32
        %dma_start3A_14 = arith.constant 0 : i32
        %dma_start3A_15 = tpu.memref_slice %arg2[%dma_start3A, %dma_start3A_14] : memref<2501x256xf32, #tpu.memory_space<hbm>> -> memref<2501x256xf32, #tpu.memory_space<hbm>>
        tpu.enqueue_indirect_dma source(%dma_start3A_15 : memref<2501x256xf32, #tpu.memory_space<hbm>>) target(%arg6 : memref<256x256xf32, #tpu.memory_space<vmem>>) offsets(%arg5 : memref<256xi32, #tpu.memory_space<vmem>>) semaphore(%arg7 : memref<!tpu.dma_semaphore, #tpu.memory_space<semaphore_mem>>)
        %dma_wait3A = arith.constant 0 : i32
        %dma_wait3A_16 = arith.constant 0 : i32
        %dma_wait3A_17 = tpu.memref_slice %arg2[%dma_wait3A, %dma_wait3A_16] : memref<2501x256xf32, #tpu.memory_space<hbm>> -> memref<2501x256xf32, #tpu.memory_space<hbm>>
        tpu.wait_indirect_dma semaphore(%arg7 : memref<!tpu.dma_semaphore, #tpu.memory_space<semaphore_mem>>) src(%dma_wait3A_17 : memref<2501x256xf32, #tpu.memory_space<hbm>>) dst(%arg6 : memref<256x256xf32, #tpu.memory_space<vmem>>)
        "tpu.region"() ({
          %run_scoped3A = tpu.sem_alloc : memref<!tpu.dma_semaphore, #tpu.memory_space<semaphore_mem>>
          %dma_start3A_18 = arith.constant 0 : i32
          %dma_start3A_19 = tpu.memref_slice %arg4[%mul3A_13, %dma_start3A_18] : memref<38400x256xf32, #tpu.memory_space<hbm>> -> memref<256x256xf32, #tpu.memory_space<hbm>>
          %dma_start3A_20 = arith.constant 0 : i32
          %dma_start3A_21 = tpu.memref_slice %arg4[%mul3A_13, %dma_start3A_20] : memref<38400x256xf32, #tpu.memory_space<hbm>> -> memref<256x256xf32, #tpu.memory_space<hbm>>
          tpu.enqueue_dma source(%arg6 : memref<256x256xf32, #tpu.memory_space<vmem>>) target(%dma_start3A_21 : memref<256x256xf32, #tpu.memory_space<hbm>>) target_semaphore(%run_scoped3A : memref<!tpu.dma_semaphore, #tpu.memory_space<semaphore_mem>>)
          %dma_wait3A_22 = arith.constant 0 : i32
          %dma_wait3A_23 = tpu.memref_slice %arg4[%mul3A_13, %dma_wait3A_22] : memref<38400x256xf32, #tpu.memory_space<hbm>> -> memref<256x256xf32, #tpu.memory_space<hbm>>
          %dma_wait3A_24 = arith.constant 0 : i32
          %dma_wait3A_25 = tpu.memref_slice %arg4[%mul3A_13, %dma_wait3A_24] : memref<38400x256xf32, #tpu.memory_space<hbm>> -> memref<256x256xf32, #tpu.memory_space<hbm>>
          tpu.wait_dma2 semaphore(%run_scoped3A : memref<!tpu.dma_semaphore, #tpu.memory_space<semaphore_mem>>) src(%arg6 : memref<256x256xf32, #tpu.memory_space<vmem>>) dst(%dma_wait3A_25 : memref<256x256xf32, #tpu.memory_space<hbm>>)
          tpu.yield
        }) : () -> ()
      } else {
      }
    }
    %scan3A_5 = arith.constant 5 : i32
    return
  }
}

#map = affine_map<(d0, d1) -> (0, 0)>
#map1 = affine_map<(d0, d1) -> (0)>
module attributes {stable_mosaic.version = 14 : i64} {
  func.func @gk(%arg0: i32, %arg1: i32, %arg2: memref<626x512xf32, #tpu.memory_space<hbm>>, %arg3: memref<7680xi32, #tpu.memory_space<hbm>>, %arg4: memref<7680x512xf32, #tpu.memory_space<hbm>>, %arg5: memref<128xi32, #tpu.memory_space<vmem>>, %arg6: memref<128x512xf32, #tpu.memory_space<vmem>>, %arg7: memref<!tpu.dma_semaphore, #tpu.memory_space<semaphore_mem>>) attributes {dimension_semantics = [#tpu.dimension_semantics<core_parallel>, #tpu.dimension_semantics<subcore_parallel>], iteration_bounds = array<i64: 2, 16>, scalar_prefetch = 0 : i64, scratch_operands = 3 : i64, tpu.core_type = #tpu.core_type<sc_vector_subcore>, window_params = [{transform_indices = #map}, {transform_indices = #map1}, {transform_indices = #map}]} {
    %mul3A = arith.constant 2 : i32
    %mul3A_0 = arith.muli %arg1, %mul3A : i32
    %add3A = arith.addi %mul3A_0, %arg0 : i32
    %scan3A = arith.constant 0 : i32
    %scan3A_1 = arith.constant 0 : i32
    %scan3A_2 = arith.constant 2 : i32
    %scan3A_3 = arith.addi %scan3A_1, %scan3A_2 : i32
    %scan3A_4 = arith.constant 1 : i32
    scf.for %scan3A_6 = %scan3A_1 to %scan3A_3 step %scan3A_4  : i32 {
      %mul3A_7 = arith.constant 32 : i32
      %mul3A_8 = arith.muli %scan3A_6, %mul3A_7 : i32
      %add3A_9 = arith.addi %mul3A_8, %add3A : i32
      %lt3A = arith.constant 60 : i32
      %lt3A_10 = arith.cmpi slt, %add3A_9, %lt3A : i32
      %convert_element_type3A = arith.extui %lt3A_10 : i1 to i32
      %cond3A = arith.constant 0 : i32
      %cond3A_11 = arith.cmpi ne, %convert_element_type3A, %cond3A : i32
      scf.if %cond3A_11 {
        %mul3A_12 = arith.constant 128 : i32
        %mul3A_13 = arith.muli %add3A_9, %mul3A_12 : i32
        "tpu.region"() ({
          %run_scoped3A = tpu.sem_alloc : memref<!tpu.dma_semaphore, #tpu.memory_space<semaphore_mem>>
          %dma_start3A_18 = tpu.memref_slice %arg3[%mul3A_13] : memref<7680xi32, #tpu.memory_space<hbm>> -> memref<128xi32, #tpu.memory_space<hbm>>
          %dma_start3A_19 = tpu.memref_slice %arg3[%mul3A_13] : memref<7680xi32, #tpu.memory_space<hbm>> -> memref<128xi32, #tpu.memory_space<hbm>>
          tpu.enqueue_dma source(%dma_start3A_19 : memref<128xi32, #tpu.memory_space<hbm>>) target(%arg5 : memref<128xi32, #tpu.memory_space<vmem>>) target_semaphore(%run_scoped3A : memref<!tpu.dma_semaphore, #tpu.memory_space<semaphore_mem>>)
          %dma_wait3A_20 = tpu.memref_slice %arg3[%mul3A_13] : memref<7680xi32, #tpu.memory_space<hbm>> -> memref<128xi32, #tpu.memory_space<hbm>>
          %dma_wait3A_21 = tpu.memref_slice %arg3[%mul3A_13] : memref<7680xi32, #tpu.memory_space<hbm>> -> memref<128xi32, #tpu.memory_space<hbm>>
          tpu.wait_dma2 semaphore(%run_scoped3A : memref<!tpu.dma_semaphore, #tpu.memory_space<semaphore_mem>>) src(%dma_wait3A_21 : memref<128xi32, #tpu.memory_space<hbm>>) dst(%arg5 : memref<128xi32, #tpu.memory_space<vmem>>)
          tpu.yield
        }) : () -> ()
        %dma_start3A = arith.constant 0 : i32
        %dma_start3A_14 = arith.constant 0 : i32
        %dma_start3A_15 = tpu.memref_slice %arg2[%dma_start3A, %dma_start3A_14] : memref<626x512xf32, #tpu.memory_space<hbm>> -> memref<626x512xf32, #tpu.memory_space<hbm>>
        tpu.enqueue_indirect_dma source(%dma_start3A_15 : memref<626x512xf32, #tpu.memory_space<hbm>>) target(%arg6 : memref<128x512xf32, #tpu.memory_space<vmem>>) offsets(%arg5 : memref<128xi32, #tpu.memory_space<vmem>>) semaphore(%arg7 : memref<!tpu.dma_semaphore, #tpu.memory_space<semaphore_mem>>)
        %dma_wait3A = arith.constant 0 : i32
        %dma_wait3A_16 = arith.constant 0 : i32
        %dma_wait3A_17 = tpu.memref_slice %arg2[%dma_wait3A, %dma_wait3A_16] : memref<626x512xf32, #tpu.memory_space<hbm>> -> memref<626x512xf32, #tpu.memory_space<hbm>>
        tpu.wait_indirect_dma semaphore(%arg7 : memref<!tpu.dma_semaphore, #tpu.memory_space<semaphore_mem>>) src(%dma_wait3A_17 : memref<626x512xf32, #tpu.memory_space<hbm>>) dst(%arg6 : memref<128x512xf32, #tpu.memory_space<vmem>>)
        "tpu.region"() ({
          %run_scoped3A = tpu.sem_alloc : memref<!tpu.dma_semaphore, #tpu.memory_space<semaphore_mem>>
          %dma_start3A_18 = arith.constant 0 : i32
          %dma_start3A_19 = tpu.memref_slice %arg4[%mul3A_13, %dma_start3A_18] : memref<7680x512xf32, #tpu.memory_space<hbm>> -> memref<128x512xf32, #tpu.memory_space<hbm>>
          %dma_start3A_20 = arith.constant 0 : i32
          %dma_start3A_21 = tpu.memref_slice %arg4[%mul3A_13, %dma_start3A_20] : memref<7680x512xf32, #tpu.memory_space<hbm>> -> memref<128x512xf32, #tpu.memory_space<hbm>>
          tpu.enqueue_dma source(%arg6 : memref<128x512xf32, #tpu.memory_space<vmem>>) target(%dma_start3A_21 : memref<128x512xf32, #tpu.memory_space<hbm>>) target_semaphore(%run_scoped3A : memref<!tpu.dma_semaphore, #tpu.memory_space<semaphore_mem>>)
          %dma_wait3A_22 = arith.constant 0 : i32
          %dma_wait3A_23 = tpu.memref_slice %arg4[%mul3A_13, %dma_wait3A_22] : memref<7680x512xf32, #tpu.memory_space<hbm>> -> memref<128x512xf32, #tpu.memory_space<hbm>>
          %dma_wait3A_24 = arith.constant 0 : i32
          %dma_wait3A_25 = tpu.memref_slice %arg4[%mul3A_13, %dma_wait3A_24] : memref<7680x512xf32, #tpu.memory_space<hbm>> -> memref<128x512xf32, #tpu.memory_space<hbm>>
          tpu.wait_dma2 semaphore(%run_scoped3A : memref<!tpu.dma_semaphore, #tpu.memory_space<semaphore_mem>>) src(%arg6 : memref<128x512xf32, #tpu.memory_space<vmem>>) dst(%dma_wait3A_25 : memref<128x512xf32, #tpu.memory_space<hbm>>)
          tpu.yield
        }) : () -> ()
      } else {
      }
    }
    %scan3A_5 = arith.constant 2 : i32
    return
  }
}

module attributes {stable_mosaic.version = 14 : i64} {
  func.func @kern(%arg0: i32, %arg1: memref<8x128xf32, #tpu.memory_space<vmem>>, %arg2: memref<128x10112xf32, #tpu.memory_space<vmem>>, %arg3: memref<1x10112xf32, #tpu.memory_space<vmem>>, %arg4: memref<8x10112xf32, #tpu.memory_space<vmem>>) attributes {dimension_semantics = [#tpu.dimension_semantics<arbitrary>], iteration_bounds = array<i64: 1>, scalar_prefetch = 0 : i64, scratch_operands = 0 : i64, tpu.core_type = #tpu.core_type<tc>, window_params = [{transform_indices = @transform_0, window_bounds = array<i64: 8, 128>}, {pipeline_mode = #tpu.pipeline_mode<synchronous>, transform_indices = @transform_1, window_bounds = array<i64: 128, 10112>}, {pipeline_mode = #tpu.pipeline_mode<synchronous>, transform_indices = @transform_2, window_bounds = array<i64: 1, 10112>}, {transform_indices = @transform_3, window_bounds = array<i64: 8, 10112>}]} {
    %get3A = arith.constant 0 : index
    %get3A_0 = arith.constant 0 : index
    %get3A_1 = vector.load %arg1[%get3A, %get3A_0] : memref<8x128xf32, #tpu.memory_space<vmem>>, vector<8x128xf32>
    %get3A_2 = arith.constant 0 : index
    %get3A_3 = arith.constant 0 : index
    %get3A_4 = vector.load %arg2[%get3A_2, %get3A_3] : memref<128x10112xf32, #tpu.memory_space<vmem>>, vector<128x10112xf32>
    %dot_general3A = arith.constant dense<0.000000e+00> : vector<8x10112xf32>
    %dot_general3A_5 = tpu.matmul %get3A_1, %get3A_4, %dot_general3A {dimension_numbers = #tpu.dot_dimension_numbers<[1], [0], [0], [1], [0, 0, 1, 1], [], []>, transpose_lhs_hint = false} : vector<8x128xf32>, vector<128x10112xf32>, vector<8x10112xf32> -> vector<8x10112xf32>
    %get3A_6 = arith.constant 0 : index
    %get3A_7 = arith.constant 0 : index
    %get3A_8 = vector.load %arg3[%get3A_6, %get3A_7] : memref<1x10112xf32, #tpu.memory_space<vmem>>, vector<1x10112xf32>
    %add3A = vector.broadcast %get3A_8 : vector<1x10112xf32> to vector<8x10112xf32>
    %add3A_9 = arith.addf %dot_general3A_5, %add3A : vector<8x10112xf32>
    %swap3A = arith.constant 0 : index
    %swap3A_10 = arith.constant 0 : index
    %swap3A_11 = vector.load %arg4[%swap3A, %swap3A_10] : memref<8x10112xf32, #tpu.memory_space<vmem>>, vector<8x10112xf32>
    tpu.vector_store %arg4[%swap3A, %swap3A_10], %add3A_9 {strides = array<i32>} : memref<8x10112xf32, #tpu.memory_space<vmem>>, vector<8x10112xf32>,
    return
  }
  func.func @transform_0(%arg0: i32) -> (i32, i32) {
    %c0_i32 = arith.constant 0 : i32
    %c0_i32_0 = arith.constant 0 : i32
    return %arg0, %c0_i32 : i32, i32
  }
  func.func @transform_1(%arg0: i32) -> (i32, i32) {
    %c0_i32 = arith.constant 0 : i32
    %c0_i32_0 = arith.constant 0 : i32
    %c0_i32_1 = arith.constant 0 : i32
    return %c0_i32, %c0_i32_0 : i32, i32
  }
  func.func @transform_2(%arg0: i32) -> (i32, i32) {
    %c0_i32 = arith.constant 0 : i32
    %c0_i32_0 = arith.constant 0 : i32
    %c0_i32_1 = arith.constant 0 : i32
    return %c0_i32, %c0_i32_0 : i32, i32
  }
  func.func @transform_3(%arg0: i32) -> (i32, i32) {
    %c0_i32 = arith.constant 0 : i32
    %c0_i32_0 = arith.constant 0 : i32
    return %arg0, %c0_i32 : i32, i32
  }
}

module attributes {stable_mosaic.version = 14 : i64} {
  func.func @kern(%arg0: i32, %arg1: memref<158x626xf32, #tpu.memory_space<vmem>>, %arg2: memref<158x512xf32, #tpu.memory_space<vmem>>, %arg3: memref<626x512xf32, #tpu.memory_space<vmem>>) attributes {dimension_semantics = [#tpu.dimension_semantics<arbitrary>], iteration_bounds = array<i64: 1>, scalar_prefetch = 0 : i64, scratch_operands = 0 : i64, tpu.core_type = #tpu.core_type<tc>, window_params = [{transform_indices = @transform_0, window_bounds = array<i64: 158, 626>}, {pipeline_mode = #tpu.pipeline_mode<synchronous>, transform_indices = @transform_1, window_bounds = array<i64: 158, 512>}, {transform_indices = @transform_2, window_bounds = array<i64: 626, 512>}]} {
    %get3A = arith.constant 0 : index
    %get3A_0 = arith.constant 0 : index
    %get3A_1 = vector.load %arg1[%get3A, %get3A_0] : memref<158x626xf32, #tpu.memory_space<vmem>>, vector<158x626xf32>
    %get3A_2 = arith.constant 0 : index
    %get3A_3 = arith.constant 0 : index
    %get3A_4 = vector.load %arg2[%get3A_2, %get3A_3] : memref<158x512xf32, #tpu.memory_space<vmem>>, vector<158x512xf32>
    %dot_general3A = arith.constant dense<0.000000e+00> : vector<626x512xf32>
    %dot_general3A_5 = tpu.matmul %get3A_1, %get3A_4, %dot_general3A {dimension_numbers = #tpu.dot_dimension_numbers<[0], [0], [1], [1], [0, 1, 1, 1], [], []>, transpose_lhs_hint = false} : vector<158x626xf32>, vector<158x512xf32>, vector<626x512xf32> -> vector<626x512xf32>
    %swap3A = arith.constant 0 : index
    %swap3A_6 = arith.constant 0 : index
    %swap3A_7 = vector.load %arg3[%swap3A, %swap3A_6] : memref<626x512xf32, #tpu.memory_space<vmem>>, vector<626x512xf32>
    tpu.vector_store %arg3[%swap3A, %swap3A_6], %dot_general3A_5 {strides = array<i32>} : memref<626x512xf32, #tpu.memory_space<vmem>>, vector<626x512xf32>,
    return
  }
  func.func @transform_0(%arg0: i32) -> (i32, i32) {
    %c0_i32 = arith.constant 0 : i32
    %c0_i32_0 = arith.constant 0 : i32
    return %c0_i32, %arg0 : i32, i32
  }
  func.func @transform_1(%arg0: i32) -> (i32, i32) {
    %c0_i32 = arith.constant 0 : i32
    %c0_i32_0 = arith.constant 0 : i32
    %c0_i32_1 = arith.constant 0 : i32
    return %c0_i32, %c0_i32_0 : i32, i32
  }
  func.func @transform_2(%arg0: i32) -> (i32, i32) {
    %c0_i32 = arith.constant 0 : i32
    %c0_i32_0 = arith.constant 0 : i32
    return %arg0, %c0_i32 : i32, i32
  }
}

module attributes {stable_mosaic.version = 14 : i64} {
  func.func @kern(%arg0: i32, %arg1: memref<7680x512xf32, #tpu.memory_space<vmem>>, %arg2: memref<12x512x256xf32, #tpu.memory_space<vmem>>, %arg3: memref<1x256xf32, #tpu.memory_space<vmem>>, %arg4: memref<640x1xf32, #tpu.memory_space<vmem>>, %arg5: memref<640x256xf32, #tpu.memory_space<vmem>>) attributes {dimension_semantics = [#tpu.dimension_semantics<arbitrary>], iteration_bounds = array<i64: 1>, scalar_prefetch = 0 : i64, scratch_operands = 0 : i64, tpu.core_type = #tpu.core_type<tc>, window_params = [{transform_indices = @transform_0, window_bounds = array<i64: 7680, 512>}, {pipeline_mode = #tpu.pipeline_mode<synchronous>, transform_indices = @transform_1, window_bounds = array<i64: 12, 512, 256>}, {pipeline_mode = #tpu.pipeline_mode<synchronous>, transform_indices = @transform_2, window_bounds = array<i64: 1, 256>}, {transform_indices = @transform_3, window_bounds = array<i64: 640, 1>}, {transform_indices = @transform_4, window_bounds = array<i64: 640, 256>}]} {
    %get3A = arith.constant 0 : index
    %get3A_0 = arith.constant 0 : index
    %get3A_1 = vector.load %arg1[%get3A, %get3A_0] : memref<7680x512xf32, #tpu.memory_space<vmem>>, vector<7680x512xf32>
    %reshape3A = vector.shape_cast %get3A_1 : vector<7680x512xf32> to vector<640x12x512xf32>
    %slice3A = vector.extract_strided_slice %reshape3A {offsets = [0, 0, 0], sizes = [640, 1, 512], strides = [1, 1, 1]} : vector<640x12x512xf32> to vector<640x1x512xf32>
    %squeeze3A = vector.shape_cast %slice3A : vector<640x1x512xf32> to vector<640x512xf32>
    %get3A_2 = arith.constant 0 : index
    %get3A_3 = arith.constant 0 : index
    %get3A_4 = arith.constant 0 : index
    %get3A_5 = vector.load %arg2[%get3A_2, %get3A_3, %get3A_4] : memref<12x512x256xf32, #tpu.memory_space<vmem>>, vector<1x512x256xf32>
    %get3A_6 = vector.shape_cast %get3A_5 : vector<1x512x256xf32> to vector<512x256xf32>
    %dot_general3A = arith.constant dense<0.000000e+00> : vector<640x256xf32>
    %dot_general3A_7 = tpu.matmul %squeeze3A, %get3A_6, %dot_general3A {dimension_numbers = #tpu.dot_dimension_numbers<[1], [0], [0], [1], [0, 0, 1, 1], [], []>, transpose_lhs_hint = false} : vector<640x512xf32>, vector<512x256xf32>, vector<640x256xf32> -> vector<640x256xf32>
    %slice3A_8 = vector.extract_strided_slice %reshape3A {offsets = [0, 1, 0], sizes = [640, 1, 512], strides = [1, 1, 1]} : vector<640x12x512xf32> to vector<640x1x512xf32>
    %squeeze3A_9 = vector.shape_cast %slice3A_8 : vector<640x1x512xf32> to vector<640x512xf32>
    %get3A_10 = arith.constant 1 : index
    %get3A_11 = arith.constant 0 : index
    %get3A_12 = arith.constant 0 : index
    %get3A_13 = vector.load %arg2[%get3A_10, %get3A_11, %get3A_12] : memref<12x512x256xf32, #tpu.memory_space<vmem>>, vector<1x512x256xf32>
    %get3A_14 = vector.shape_cast %get3A_13 : vector<1x512x256xf32> to vector<512x256xf32>
    %dot_general3A_15 = arith.constant dense<0.000000e+00> : vector<640x256xf32>
    %dot_general3A_16 = tpu.matmul %squeeze3A_9, %get3A_14, %dot_general3A_15 {dimension_numbers = #tpu.dot_dimension_numbers<[1], [0], [0], [1], [0, 0, 1, 1], [], []>, transpose_lhs_hint = false} : vector<640x512xf32>, vector<512x256xf32>, vector<640x256xf32> -> vector<640x256xf32>
    %add3A = arith.addf %dot_general3A_7, %dot_general3A_16 : vector<640x256xf32>
    %slice3A_17 = vector.extract_strided_slice %reshape3A {offsets = [0, 2, 0], sizes = [640, 1, 512], strides = [1, 1, 1]} : vector<640x12x512xf32> to vector<640x1x512xf32>
    %squeeze3A_18 = vector.shape_cast %slice3A_17 : vector<640x1x512xf32> to vector<640x512xf32>
    %get3A_19 = arith.constant 2 : index
    %get3A_20 = arith.constant 0 : index
    %get3A_21 = arith.constant 0 : index
    %get3A_22 = vector.load %arg2[%get3A_19, %get3A_20, %get3A_21] : memref<12x512x256xf32, #tpu.memory_space<vmem>>, vector<1x512x256xf32>
    %get3A_23 = vector.shape_cast %get3A_22 : vector<1x512x256xf32> to vector<512x256xf32>
    %dot_general3A_24 = arith.constant dense<0.000000e+00> : vector<640x256xf32>
    %dot_general3A_25 = tpu.matmul %squeeze3A_18, %get3A_23, %dot_general3A_24 {dimension_numbers = #tpu.dot_dimension_numbers<[1], [0], [0], [1], [0, 0, 1, 1], [], []>, transpose_lhs_hint = false} : vector<640x512xf32>, vector<512x256xf32>, vector<640x256xf32> -> vector<640x256xf32>
    %add3A_26 = arith.addf %add3A, %dot_general3A_25 : vector<640x256xf32>
    %slice3A_27 = vector.extract_strided_slice %reshape3A {offsets = [0, 3, 0], sizes = [640, 1, 512], strides = [1, 1, 1]} : vector<640x12x512xf32> to vector<640x1x512xf32>
    %squeeze3A_28 = vector.shape_cast %slice3A_27 : vector<640x1x512xf32> to vector<640x512xf32>
    %get3A_29 = arith.constant 3 : index
    %get3A_30 = arith.constant 0 : index
    %get3A_31 = arith.constant 0 : index
    %get3A_32 = vector.load %arg2[%get3A_29, %get3A_30, %get3A_31] : memref<12x512x256xf32, #tpu.memory_space<vmem>>, vector<1x512x256xf32>
    %get3A_33 = vector.shape_cast %get3A_32 : vector<1x512x256xf32> to vector<512x256xf32>
    %dot_general3A_34 = arith.constant dense<0.000000e+00> : vector<640x256xf32>
    %dot_general3A_35 = tpu.matmul %squeeze3A_28, %get3A_33, %dot_general3A_34 {dimension_numbers = #tpu.dot_dimension_numbers<[1], [0], [0], [1], [0, 0, 1, 1], [], []>, transpose_lhs_hint = false} : vector<640x512xf32>, vector<512x256xf32>, vector<640x256xf32> -> vector<640x256xf32>
    %add3A_36 = arith.addf %add3A_26, %dot_general3A_35 : vector<640x256xf32>
    %slice3A_37 = vector.extract_strided_slice %reshape3A {offsets = [0, 4, 0], sizes = [640, 1, 512], strides = [1, 1, 1]} : vector<640x12x512xf32> to vector<640x1x512xf32>
    %squeeze3A_38 = vector.shape_cast %slice3A_37 : vector<640x1x512xf32> to vector<640x512xf32>
    %get3A_39 = arith.constant 4 : index
    %get3A_40 = arith.constant 0 : index
    %get3A_41 = arith.constant 0 : index
    %get3A_42 = vector.load %arg2[%get3A_39, %get3A_40, %get3A_41] : memref<12x512x256xf32, #tpu.memory_space<vmem>>, vector<1x512x256xf32>
    %get3A_43 = vector.shape_cast %get3A_42 : vector<1x512x256xf32> to vector<512x256xf32>
    %dot_general3A_44 = arith.constant dense<0.000000e+00> : vector<640x256xf32>
    %dot_general3A_45 = tpu.matmul %squeeze3A_38, %get3A_43, %dot_general3A_44 {dimension_numbers = #tpu.dot_dimension_numbers<[1], [0], [0], [1], [0, 0, 1, 1], [], []>, transpose_lhs_hint = false} : vector<640x512xf32>, vector<512x256xf32>, vector<640x256xf32> -> vector<640x256xf32>
    %add3A_46 = arith.addf %add3A_36, %dot_general3A_45 : vector<640x256xf32>
    %slice3A_47 = vector.extract_strided_slice %reshape3A {offsets = [0, 5, 0], sizes = [640, 1, 512], strides = [1, 1, 1]} : vector<640x12x512xf32> to vector<640x1x512xf32>
    %squeeze3A_48 = vector.shape_cast %slice3A_47 : vector<640x1x512xf32> to vector<640x512xf32>
    %get3A_49 = arith.constant 5 : index
    %get3A_50 = arith.constant 0 : index
    %get3A_51 = arith.constant 0 : index
    %get3A_52 = vector.load %arg2[%get3A_49, %get3A_50, %get3A_51] : memref<12x512x256xf32, #tpu.memory_space<vmem>>, vector<1x512x256xf32>
    %get3A_53 = vector.shape_cast %get3A_52 : vector<1x512x256xf32> to vector<512x256xf32>
    %dot_general3A_54 = arith.constant dense<0.000000e+00> : vector<640x256xf32>
    %dot_general3A_55 = tpu.matmul %squeeze3A_48, %get3A_53, %dot_general3A_54 {dimension_numbers = #tpu.dot_dimension_numbers<[1], [0], [0], [1], [0, 0, 1, 1], [], []>, transpose_lhs_hint = false} : vector<640x512xf32>, vector<512x256xf32>, vector<640x256xf32> -> vector<640x256xf32>
    %add3A_56 = arith.addf %add3A_46, %dot_general3A_55 : vector<640x256xf32>
    %slice3A_57 = vector.extract_strided_slice %reshape3A {offsets = [0, 6, 0], sizes = [640, 1, 512], strides = [1, 1, 1]} : vector<640x12x512xf32> to vector<640x1x512xf32>
    %squeeze3A_58 = vector.shape_cast %slice3A_57 : vector<640x1x512xf32> to vector<640x512xf32>
    %get3A_59 = arith.constant 6 : index
    %get3A_60 = arith.constant 0 : index
    %get3A_61 = arith.constant 0 : index
    %get3A_62 = vector.load %arg2[%get3A_59, %get3A_60, %get3A_61] : memref<12x512x256xf32, #tpu.memory_space<vmem>>, vector<1x512x256xf32>
    %get3A_63 = vector.shape_cast %get3A_62 : vector<1x512x256xf32> to vector<512x256xf32>
    %dot_general3A_64 = arith.constant dense<0.000000e+00> : vector<640x256xf32>
    %dot_general3A_65 = tpu.matmul %squeeze3A_58, %get3A_63, %dot_general3A_64 {dimension_numbers = #tpu.dot_dimension_numbers<[1], [0], [0], [1], [0, 0, 1, 1], [], []>, transpose_lhs_hint = false} : vector<640x512xf32>, vector<512x256xf32>, vector<640x256xf32> -> vector<640x256xf32>
    %add3A_66 = arith.addf %add3A_56, %dot_general3A_65 : vector<640x256xf32>
    %slice3A_67 = vector.extract_strided_slice %reshape3A {offsets = [0, 7, 0], sizes = [640, 1, 512], strides = [1, 1, 1]} : vector<640x12x512xf32> to vector<640x1x512xf32>
    %squeeze3A_68 = vector.shape_cast %slice3A_67 : vector<640x1x512xf32> to vector<640x512xf32>
    %get3A_69 = arith.constant 7 : index
    %get3A_70 = arith.constant 0 : index
    %get3A_71 = arith.constant 0 : index
    %get3A_72 = vector.load %arg2[%get3A_69, %get3A_70, %get3A_71] : memref<12x512x256xf32, #tpu.memory_space<vmem>>, vector<1x512x256xf32>
    %get3A_73 = vector.shape_cast %get3A_72 : vector<1x512x256xf32> to vector<512x256xf32>
    %dot_general3A_74 = arith.constant dense<0.000000e+00> : vector<640x256xf32>
    %dot_general3A_75 = tpu.matmul %squeeze3A_68, %get3A_73, %dot_general3A_74 {dimension_numbers = #tpu.dot_dimension_numbers<[1], [0], [0], [1], [0, 0, 1, 1], [], []>, transpose_lhs_hint = false} : vector<640x512xf32>, vector<512x256xf32>, vector<640x256xf32> -> vector<640x256xf32>
    %add3A_76 = arith.addf %add3A_66, %dot_general3A_75 : vector<640x256xf32>
    %slice3A_77 = vector.extract_strided_slice %reshape3A {offsets = [0, 8, 0], sizes = [640, 1, 512], strides = [1, 1, 1]} : vector<640x12x512xf32> to vector<640x1x512xf32>
    %squeeze3A_78 = vector.shape_cast %slice3A_77 : vector<640x1x512xf32> to vector<640x512xf32>
    %get3A_79 = arith.constant 8 : index
    %get3A_80 = arith.constant 0 : index
    %get3A_81 = arith.constant 0 : index
    %get3A_82 = vector.load %arg2[%get3A_79, %get3A_80, %get3A_81] : memref<12x512x256xf32, #tpu.memory_space<vmem>>, vector<1x512x256xf32>
    %get3A_83 = vector.shape_cast %get3A_82 : vector<1x512x256xf32> to vector<512x256xf32>
    %dot_general3A_84 = arith.constant dense<0.000000e+00> : vector<640x256xf32>
    %dot_general3A_85 = tpu.matmul %squeeze3A_78, %get3A_83, %dot_general3A_84 {dimension_numbers = #tpu.dot_dimension_numbers<[1], [0], [0], [1], [0, 0, 1, 1], [], []>, transpose_lhs_hint = false} : vector<640x512xf32>, vector<512x256xf32>, vector<640x256xf32> -> vector<640x256xf32>
    %add3A_86 = arith.addf %add3A_76, %dot_general3A_85 : vector<640x256xf32>
    %slice3A_87 = vector.extract_strided_slice %reshape3A {offsets = [0, 9, 0], sizes = [640, 1, 512], strides = [1, 1, 1]} : vector<640x12x512xf32> to vector<640x1x512xf32>
    %squeeze3A_88 = vector.shape_cast %slice3A_87 : vector<640x1x512xf32> to vector<640x512xf32>
    %get3A_89 = arith.constant 9 : index
    %get3A_90 = arith.constant 0 : index
    %get3A_91 = arith.constant 0 : index
    %get3A_92 = vector.load %arg2[%get3A_89, %get3A_90, %get3A_91] : memref<12x512x256xf32, #tpu.memory_space<vmem>>, vector<1x512x256xf32>
    %get3A_93 = vector.shape_cast %get3A_92 : vector<1x512x256xf32> to vector<512x256xf32>
    %dot_general3A_94 = arith.constant dense<0.000000e+00> : vector<640x256xf32>
    %dot_general3A_95 = tpu.matmul %squeeze3A_88, %get3A_93, %dot_general3A_94 {dimension_numbers = #tpu.dot_dimension_numbers<[1], [0], [0], [1], [0, 0, 1, 1], [], []>, transpose_lhs_hint = false} : vector<640x512xf32>, vector<512x256xf32>, vector<640x256xf32> -> vector<640x256xf32>
    %add3A_96 = arith.addf %add3A_86, %dot_general3A_95 : vector<640x256xf32>
    %slice3A_97 = vector.extract_strided_slice %reshape3A {offsets = [0, 10, 0], sizes = [640, 1, 512], strides = [1, 1, 1]} : vector<640x12x512xf32> to vector<640x1x512xf32>
    %squeeze3A_98 = vector.shape_cast %slice3A_97 : vector<640x1x512xf32> to vector<640x512xf32>
    %get3A_99 = arith.constant 10 : index
    %get3A_100 = arith.constant 0 : index
    %get3A_101 = arith.constant 0 : index
    %get3A_102 = vector.load %arg2[%get3A_99, %get3A_100, %get3A_101] : memref<12x512x256xf32, #tpu.memory_space<vmem>>, vector<1x512x256xf32>
    %get3A_103 = vector.shape_cast %get3A_102 : vector<1x512x256xf32> to vector<512x256xf32>
    %dot_general3A_104 = arith.constant dense<0.000000e+00> : vector<640x256xf32>
    %dot_general3A_105 = tpu.matmul %squeeze3A_98, %get3A_103, %dot_general3A_104 {dimension_numbers = #tpu.dot_dimension_numbers<[1], [0], [0], [1], [0, 0, 1, 1], [], []>, transpose_lhs_hint = false} : vector<640x512xf32>, vector<512x256xf32>, vector<640x256xf32> -> vector<640x256xf32>
    %add3A_106 = arith.addf %add3A_96, %dot_general3A_105 : vector<640x256xf32>
    %slice3A_107 = vector.extract_strided_slice %reshape3A {offsets = [0, 11, 0], sizes = [640, 1, 512], strides = [1, 1, 1]} : vector<640x12x512xf32> to vector<640x1x512xf32>
    %squeeze3A_108 = vector.shape_cast %slice3A_107 : vector<640x1x512xf32> to vector<640x512xf32>
    %get3A_109 = arith.constant 11 : index
    %get3A_110 = arith.constant 0 : index
    %get3A_111 = arith.constant 0 : index
    %get3A_112 = vector.load %arg2[%get3A_109, %get3A_110, %get3A_111] : memref<12x512x256xf32, #tpu.memory_space<vmem>>, vector<1x512x256xf32>
    %get3A_113 = vector.shape_cast %get3A_112 : vector<1x512x256xf32> to vector<512x256xf32>
    %dot_general3A_114 = arith.constant dense<0.000000e+00> : vector<640x256xf32>
    %dot_general3A_115 = tpu.matmul %squeeze3A_108, %get3A_113, %dot_general3A_114 {dimension_numbers = #tpu.dot_dimension_numbers<[1], [0], [0], [1], [0, 0, 1, 1], [], []>, transpose_lhs_hint = false} : vector<640x512xf32>, vector<512x256xf32>, vector<640x256xf32> -> vector<640x256xf32>
    %add3A_116 = arith.addf %add3A_106, %dot_general3A_115 : vector<640x256xf32>
    %get3A_117 = arith.constant 0 : index
    %get3A_118 = arith.constant 0 : index
    %get3A_119 = vector.load %arg3[%get3A_117, %get3A_118] : memref<1x256xf32, #tpu.memory_space<vmem>>, vector<1x256xf32>
    %add3A_120 = vector.broadcast %get3A_119 : vector<1x256xf32> to vector<640x256xf32>
    %add3A_121 = arith.addf %add3A_116, %add3A_120 : vector<640x256xf32>
    %gt3A = arith.constant 0.000000e+00 : f32
    %gt3A_122 = vector.broadcast %gt3A : f32 to vector<640x256xf32>
    %gt3A_123 = arith.cmpf ogt, %add3A_121, %gt3A_122 : vector<640x256xf32>
    %min3A = arith.constant 0.000000e+00 : f32
    %min3A_124 = vector.broadcast %min3A : f32 to vector<640x256xf32>
    %min3A_125 = arith.minimumf %add3A_121, %min3A_124 : vector<640x256xf32>
    %exp3A = math.exp %min3A_125 : vector<640x256xf32>
    %sub3A = arith.constant 1.000000e+00 : f32
    %sub3A_126 = vector.broadcast %sub3A : f32 to vector<640x256xf32>
    %sub3A_127 = arith.subf %exp3A, %sub3A_126 : vector<640x256xf32>
    %select_n3A = arith.select %gt3A_123, %add3A_121, %sub3A_127 : vector<640x256xi1>, vector<640x256xf32>
    %get3A_128 = arith.constant 0 : index
    %get3A_129 = arith.constant 0 : index
    %get3A_130 = vector.load %arg4[%get3A_128, %get3A_129] : memref<640x1xf32, #tpu.memory_space<vmem>>, vector<640x1xf32>
    %mul3A = vector.broadcast %get3A_130 : vector<640x1xf32> to vector<640x256xf32>
    %mul3A_131 = arith.mulf %select_n3A, %mul3A : vector<640x256xf32>
    %swap3A = arith.constant 0 : index
    %swap3A_132 = arith.constant 0 : index
    %swap3A_133 = vector.load %arg5[%swap3A, %swap3A_132] : memref<640x256xf32, #tpu.memory_space<vmem>>, vector<640x256xf32>
    tpu.vector_store %arg5[%swap3A, %swap3A_132], %mul3A_131 {strides = array<i32>} : memref<640x256xf32, #tpu.memory_space<vmem>>, vector<640x256xf32>,
    return
  }
  func.func @transform_0(%arg0: i32) -> (i32, i32) {
    %c0_i32 = arith.constant 0 : i32
    %c0_i32_0 = arith.constant 0 : i32
    return %arg0, %c0_i32 : i32, i32
  }
  func.func @transform_1(%arg0: i32) -> (i32, i32, i32) {
    %c0_i32 = arith.constant 0 : i32
    %c0_i32_0 = arith.constant 0 : i32
    %c0_i32_1 = arith.constant 0 : i32
    %c0_i32_2 = arith.constant 0 : i32
    return %c0_i32, %c0_i32_0, %c0_i32_1 : i32, i32, i32
  }
  func.func @transform_2(%arg0: i32) -> (i32, i32) {
    %c0_i32 = arith.constant 0 : i32
    %c0_i32_0 = arith.constant 0 : i32
    %c0_i32_1 = arith.constant 0 : i32
    return %c0_i32, %c0_i32_0 : i32, i32
  }
  func.func @transform_3(%arg0: i32) -> (i32, i32) {
    %c0_i32 = arith.constant 0 : i32
    %c0_i32_0 = arith.constant 0 : i32
    return %arg0, %c0_i32 : i32, i32
  }
  func.func @transform_4(%arg0: i32) -> (i32, i32) {
    %c0_i32 = arith.constant 0 : i32
    %c0_i32_0 = arith.constant 0 : i32
    return %arg0, %c0_i32 : i32, i32
  }
}

module attributes {stable_mosaic.version = 14 : i64} {
  func.func @kern(%arg0: i32, %arg1: memref<626x2501xf32, #tpu.memory_space<vmem>>, %arg2: memref<626x256xf32, #tpu.memory_space<vmem>>, %arg3: memref<2501x256xf32, #tpu.memory_space<vmem>>) attributes {dimension_semantics = [#tpu.dimension_semantics<arbitrary>], iteration_bounds = array<i64: 1>, scalar_prefetch = 0 : i64, scratch_operands = 0 : i64, tpu.core_type = #tpu.core_type<tc>, window_params = [{transform_indices = @transform_0, window_bounds = array<i64: 626, 2501>}, {pipeline_mode = #tpu.pipeline_mode<synchronous>, transform_indices = @transform_1, window_bounds = array<i64: 626, 256>}, {transform_indices = @transform_2, window_bounds = array<i64: 2501, 256>}]} {
    %get3A = arith.constant 0 : index
    %get3A_0 = arith.constant 0 : index
    %get3A_1 = vector.load %arg1[%get3A, %get3A_0] : memref<626x2501xf32, #tpu.memory_space<vmem>>, vector<626x2501xf32>
    %get3A_2 = arith.constant 0 : index
    %get3A_3 = arith.constant 0 : index
    %get3A_4 = vector.load %arg2[%get3A_2, %get3A_3] : memref<626x256xf32, #tpu.memory_space<vmem>>, vector<626x256xf32>
    %dot_general3A = arith.constant dense<0.000000e+00> : vector<2501x256xf32>
    %dot_general3A_5 = tpu.matmul %get3A_1, %get3A_4, %dot_general3A {dimension_numbers = #tpu.dot_dimension_numbers<[0], [0], [1], [1], [0, 1, 1, 1], [], []>, transpose_lhs_hint = false} : vector<626x2501xf32>, vector<626x256xf32>, vector<2501x256xf32> -> vector<2501x256xf32>
    %swap3A = arith.constant 0 : index
    %swap3A_6 = arith.constant 0 : index
    %swap3A_7 = vector.load %arg3[%swap3A, %swap3A_6] : memref<2501x256xf32, #tpu.memory_space<vmem>>, vector<2501x256xf32>
    tpu.vector_store %arg3[%swap3A, %swap3A_6], %dot_general3A_5 {strides = array<i32>} : memref<2501x256xf32, #tpu.memory_space<vmem>>, vector<2501x256xf32>,
    return
  }
  func.func @transform_0(%arg0: i32) -> (i32, i32) {
    %c0_i32 = arith.constant 0 : i32
    %c0_i32_0 = arith.constant 0 : i32
    return %c0_i32, %arg0 : i32, i32
  }
  func.func @transform_1(%arg0: i32) -> (i32, i32) {
    %c0_i32 = arith.constant 0 : i32
    %c0_i32_0 = arith.constant 0 : i32
    %c0_i32_1 = arith.constant 0 : i32
    return %c0_i32, %c0_i32_0 : i32, i32
  }
  func.func @transform_2(%arg0: i32) -> (i32, i32) {
    %c0_i32 = arith.constant 0 : i32
    %c0_i32_0 = arith.constant 0 : i32
    return %arg0, %c0_i32 : i32, i32
  }
}

module attributes {stable_mosaic.version = 14 : i64} {
  func.func @kern(%arg0: i32, %arg1: memref<9600x256xf32, #tpu.memory_space<vmem>>, %arg2: memref<15x256x128xf32, #tpu.memory_space<vmem>>, %arg3: memref<1x128xf32, #tpu.memory_space<vmem>>, %arg4: memref<640x1xf32, #tpu.memory_space<vmem>>, %arg5: memref<640x128xf32, #tpu.memory_space<vmem>>) attributes {dimension_semantics = [#tpu.dimension_semantics<arbitrary>], iteration_bounds = array<i64: 4>, scalar_prefetch = 0 : i64, scratch_operands = 0 : i64, tpu.core_type = #tpu.core_type<tc>, window_params = [{transform_indices = @transform_0, window_bounds = array<i64: 9600, 256>}, {pipeline_mode = #tpu.pipeline_mode<synchronous>, transform_indices = @transform_1, window_bounds = array<i64: 15, 256, 128>}, {pipeline_mode = #tpu.pipeline_mode<synchronous>, transform_indices = @transform_2, window_bounds = array<i64: 1, 128>}, {transform_indices = @transform_3, window_bounds = array<i64: 640, 1>}, {transform_indices = @transform_4, window_bounds = array<i64: 640, 128>}]} {
    %get3A = arith.constant 0 : index
    %get3A_0 = arith.constant 0 : index
    %get3A_1 = vector.load %arg1[%get3A, %get3A_0] : memref<9600x256xf32, #tpu.memory_space<vmem>>, vector<9600x256xf32>
    %reshape3A = vector.shape_cast %get3A_1 : vector<9600x256xf32> to vector<640x15x256xf32>
    %slice3A = vector.extract_strided_slice %reshape3A {offsets = [0, 0, 0], sizes = [640, 1, 256], strides = [1, 1, 1]} : vector<640x15x256xf32> to vector<640x1x256xf32>
    %squeeze3A = vector.shape_cast %slice3A : vector<640x1x256xf32> to vector<640x256xf32>
    %get3A_2 = arith.constant 0 : index
    %get3A_3 = arith.constant 0 : index
    %get3A_4 = arith.constant 0 : index
    %get3A_5 = vector.load %arg2[%get3A_2, %get3A_3, %get3A_4] : memref<15x256x128xf32, #tpu.memory_space<vmem>>, vector<1x256x128xf32>
    %get3A_6 = vector.shape_cast %get3A_5 : vector<1x256x128xf32> to vector<256x128xf32>
    %dot_general3A = arith.constant dense<0.000000e+00> : vector<640x128xf32>
    %dot_general3A_7 = tpu.matmul %squeeze3A, %get3A_6, %dot_general3A {dimension_numbers = #tpu.dot_dimension_numbers<[1], [0], [0], [1], [0, 0, 1, 1], [], []>, transpose_lhs_hint = false} : vector<640x256xf32>, vector<256x128xf32>, vector<640x128xf32> -> vector<640x128xf32>
    %slice3A_8 = vector.extract_strided_slice %reshape3A {offsets = [0, 1, 0], sizes = [640, 1, 256], strides = [1, 1, 1]} : vector<640x15x256xf32> to vector<640x1x256xf32>
    %squeeze3A_9 = vector.shape_cast %slice3A_8 : vector<640x1x256xf32> to vector<640x256xf32>
    %get3A_10 = arith.constant 1 : index
    %get3A_11 = arith.constant 0 : index
    %get3A_12 = arith.constant 0 : index
    %get3A_13 = vector.load %arg2[%get3A_10, %get3A_11, %get3A_12] : memref<15x256x128xf32, #tpu.memory_space<vmem>>, vector<1x256x128xf32>
    %get3A_14 = vector.shape_cast %get3A_13 : vector<1x256x128xf32> to vector<256x128xf32>
    %dot_general3A_15 = arith.constant dense<0.000000e+00> : vector<640x128xf32>
    %dot_general3A_16 = tpu.matmul %squeeze3A_9, %get3A_14, %dot_general3A_15 {dimension_numbers = #tpu.dot_dimension_numbers<[1], [0], [0], [1], [0, 0, 1, 1], [], []>, transpose_lhs_hint = false} : vector<640x256xf32>, vector<256x128xf32>, vector<640x128xf32> -> vector<640x128xf32>
    %add3A = arith.addf %dot_general3A_7, %dot_general3A_16 : vector<640x128xf32>
    %slice3A_17 = vector.extract_strided_slice %reshape3A {offsets = [0, 2, 0], sizes = [640, 1, 256], strides = [1, 1, 1]} : vector<640x15x256xf32> to vector<640x1x256xf32>
    %squeeze3A_18 = vector.shape_cast %slice3A_17 : vector<640x1x256xf32> to vector<640x256xf32>
    %get3A_19 = arith.constant 2 : index
    %get3A_20 = arith.constant 0 : index
    %get3A_21 = arith.constant 0 : index
    %get3A_22 = vector.load %arg2[%get3A_19, %get3A_20, %get3A_21] : memref<15x256x128xf32, #tpu.memory_space<vmem>>, vector<1x256x128xf32>
    %get3A_23 = vector.shape_cast %get3A_22 : vector<1x256x128xf32> to vector<256x128xf32>
    %dot_general3A_24 = arith.constant dense<0.000000e+00> : vector<640x128xf32>
    %dot_general3A_25 = tpu.matmul %squeeze3A_18, %get3A_23, %dot_general3A_24 {dimension_numbers = #tpu.dot_dimension_numbers<[1], [0], [0], [1], [0, 0, 1, 1], [], []>, transpose_lhs_hint = false} : vector<640x256xf32>, vector<256x128xf32>, vector<640x128xf32> -> vector<640x128xf32>
    %add3A_26 = arith.addf %add3A, %dot_general3A_25 : vector<640x128xf32>
    %slice3A_27 = vector.extract_strided_slice %reshape3A {offsets = [0, 3, 0], sizes = [640, 1, 256], strides = [1, 1, 1]} : vector<640x15x256xf32> to vector<640x1x256xf32>
    %squeeze3A_28 = vector.shape_cast %slice3A_27 : vector<640x1x256xf32> to vector<640x256xf32>
    %get3A_29 = arith.constant 3 : index
    %get3A_30 = arith.constant 0 : index
    %get3A_31 = arith.constant 0 : index
    %get3A_32 = vector.load %arg2[%get3A_29, %get3A_30, %get3A_31] : memref<15x256x128xf32, #tpu.memory_space<vmem>>, vector<1x256x128xf32>
    %get3A_33 = vector.shape_cast %get3A_32 : vector<1x256x128xf32> to vector<256x128xf32>
    %dot_general3A_34 = arith.constant dense<0.000000e+00> : vector<640x128xf32>
    %dot_general3A_35 = tpu.matmul %squeeze3A_28, %get3A_33, %dot_general3A_34 {dimension_numbers = #tpu.dot_dimension_numbers<[1], [0], [0], [1], [0, 0, 1, 1], [], []>, transpose_lhs_hint = false} : vector<640x256xf32>, vector<256x128xf32>, vector<640x128xf32> -> vector<640x128xf32>
    %add3A_36 = arith.addf %add3A_26, %dot_general3A_35 : vector<640x128xf32>
    %slice3A_37 = vector.extract_strided_slice %reshape3A {offsets = [0, 4, 0], sizes = [640, 1, 256], strides = [1, 1, 1]} : vector<640x15x256xf32> to vector<640x1x256xf32>
    %squeeze3A_38 = vector.shape_cast %slice3A_37 : vector<640x1x256xf32> to vector<640x256xf32>
    %get3A_39 = arith.constant 4 : index
    %get3A_40 = arith.constant 0 : index
    %get3A_41 = arith.constant 0 : index
    %get3A_42 = vector.load %arg2[%get3A_39, %get3A_40, %get3A_41] : memref<15x256x128xf32, #tpu.memory_space<vmem>>, vector<1x256x128xf32>
    %get3A_43 = vector.shape_cast %get3A_42 : vector<1x256x128xf32> to vector<256x128xf32>
    %dot_general3A_44 = arith.constant dense<0.000000e+00> : vector<640x128xf32>
    %dot_general3A_45 = tpu.matmul %squeeze3A_38, %get3A_43, %dot_general3A_44 {dimension_numbers = #tpu.dot_dimension_numbers<[1], [0], [0], [1], [0, 0, 1, 1], [], []>, transpose_lhs_hint = false} : vector<640x256xf32>, vector<256x128xf32>, vector<640x128xf32> -> vector<640x128xf32>
    %add3A_46 = arith.addf %add3A_36, %dot_general3A_45 : vector<640x128xf32>
    %slice3A_47 = vector.extract_strided_slice %reshape3A {offsets = [0, 5, 0], sizes = [640, 1, 256], strides = [1, 1, 1]} : vector<640x15x256xf32> to vector<640x1x256xf32>
    %squeeze3A_48 = vector.shape_cast %slice3A_47 : vector<640x1x256xf32> to vector<640x256xf32>
    %get3A_49 = arith.constant 5 : index
    %get3A_50 = arith.constant 0 : index
    %get3A_51 = arith.constant 0 : index
    %get3A_52 = vector.load %arg2[%get3A_49, %get3A_50, %get3A_51] : memref<15x256x128xf32, #tpu.memory_space<vmem>>, vector<1x256x128xf32>
    %get3A_53 = vector.shape_cast %get3A_52 : vector<1x256x128xf32> to vector<256x128xf32>
    %dot_general3A_54 = arith.constant dense<0.000000e+00> : vector<640x128xf32>
    %dot_general3A_55 = tpu.matmul %squeeze3A_48, %get3A_53, %dot_general3A_54 {dimension_numbers = #tpu.dot_dimension_numbers<[1], [0], [0], [1], [0, 0, 1, 1], [], []>, transpose_lhs_hint = false} : vector<640x256xf32>, vector<256x128xf32>, vector<640x128xf32> -> vector<640x128xf32>
    %add3A_56 = arith.addf %add3A_46, %dot_general3A_55 : vector<640x128xf32>
    %slice3A_57 = vector.extract_strided_slice %reshape3A {offsets = [0, 6, 0], sizes = [640, 1, 256], strides = [1, 1, 1]} : vector<640x15x256xf32> to vector<640x1x256xf32>
    %squeeze3A_58 = vector.shape_cast %slice3A_57 : vector<640x1x256xf32> to vector<640x256xf32>
    %get3A_59 = arith.constant 6 : index
    %get3A_60 = arith.constant 0 : index
    %get3A_61 = arith.constant 0 : index
    %get3A_62 = vector.load %arg2[%get3A_59, %get3A_60, %get3A_61] : memref<15x256x128xf32, #tpu.memory_space<vmem>>, vector<1x256x128xf32>
    %get3A_63 = vector.shape_cast %get3A_62 : vector<1x256x128xf32> to vector<256x128xf32>
    %dot_general3A_64 = arith.constant dense<0.000000e+00> : vector<640x128xf32>
    %dot_general3A_65 = tpu.matmul %squeeze3A_58, %get3A_63, %dot_general3A_64 {dimension_numbers = #tpu.dot_dimension_numbers<[1], [0], [0], [1], [0, 0, 1, 1], [], []>, transpose_lhs_hint = false} : vector<640x256xf32>, vector<256x128xf32>, vector<640x128xf32> -> vector<640x128xf32>
    %add3A_66 = arith.addf %add3A_56, %dot_general3A_65 : vector<640x128xf32>
    %slice3A_67 = vector.extract_strided_slice %reshape3A {offsets = [0, 7, 0], sizes = [640, 1, 256], strides = [1, 1, 1]} : vector<640x15x256xf32> to vector<640x1x256xf32>
    %squeeze3A_68 = vector.shape_cast %slice3A_67 : vector<640x1x256xf32> to vector<640x256xf32>
    %get3A_69 = arith.constant 7 : index
    %get3A_70 = arith.constant 0 : index
    %get3A_71 = arith.constant 0 : index
    %get3A_72 = vector.load %arg2[%get3A_69, %get3A_70, %get3A_71] : memref<15x256x128xf32, #tpu.memory_space<vmem>>, vector<1x256x128xf32>
    %get3A_73 = vector.shape_cast %get3A_72 : vector<1x256x128xf32> to vector<256x128xf32>
    %dot_general3A_74 = arith.constant dense<0.000000e+00> : vector<640x128xf32>
    %dot_general3A_75 = tpu.matmul %squeeze3A_68, %get3A_73, %dot_general3A_74 {dimension_numbers = #tpu.dot_dimension_numbers<[1], [0], [0], [1], [0, 0, 1, 1], [], []>, transpose_lhs_hint = false} : vector<640x256xf32>, vector<256x128xf32>, vector<640x128xf32> -> vector<640x128xf32>
    %add3A_76 = arith.addf %add3A_66, %dot_general3A_75 : vector<640x128xf32>
    %slice3A_77 = vector.extract_strided_slice %reshape3A {offsets = [0, 8, 0], sizes = [640, 1, 256], strides = [1, 1, 1]} : vector<640x15x256xf32> to vector<640x1x256xf32>
    %squeeze3A_78 = vector.shape_cast %slice3A_77 : vector<640x1x256xf32> to vector<640x256xf32>
    %get3A_79 = arith.constant 8 : index
    %get3A_80 = arith.constant 0 : index
    %get3A_81 = arith.constant 0 : index
    %get3A_82 = vector.load %arg2[%get3A_79, %get3A_80, %get3A_81] : memref<15x256x128xf32, #tpu.memory_space<vmem>>, vector<1x256x128xf32>
    %get3A_83 = vector.shape_cast %get3A_82 : vector<1x256x128xf32> to vector<256x128xf32>
    %dot_general3A_84 = arith.constant dense<0.000000e+00> : vector<640x128xf32>
    %dot_general3A_85 = tpu.matmul %squeeze3A_78, %get3A_83, %dot_general3A_84 {dimension_numbers = #tpu.dot_dimension_numbers<[1], [0], [0], [1], [0, 0, 1, 1], [], []>, transpose_lhs_hint = false} : vector<640x256xf32>, vector<256x128xf32>, vector<640x128xf32> -> vector<640x128xf32>
    %add3A_86 = arith.addf %add3A_76, %dot_general3A_85 : vector<640x128xf32>
    %slice3A_87 = vector.extract_strided_slice %reshape3A {offsets = [0, 9, 0], sizes = [640, 1, 256], strides = [1, 1, 1]} : vector<640x15x256xf32> to vector<640x1x256xf32>
    %squeeze3A_88 = vector.shape_cast %slice3A_87 : vector<640x1x256xf32> to vector<640x256xf32>
    %get3A_89 = arith.constant 9 : index
    %get3A_90 = arith.constant 0 : index
    %get3A_91 = arith.constant 0 : index
    %get3A_92 = vector.load %arg2[%get3A_89, %get3A_90, %get3A_91] : memref<15x256x128xf32, #tpu.memory_space<vmem>>, vector<1x256x128xf32>
    %get3A_93 = vector.shape_cast %get3A_92 : vector<1x256x128xf32> to vector<256x128xf32>
    %dot_general3A_94 = arith.constant dense<0.000000e+00> : vector<640x128xf32>
    %dot_general3A_95 = tpu.matmul %squeeze3A_88, %get3A_93, %dot_general3A_94 {dimension_numbers = #tpu.dot_dimension_numbers<[1], [0], [0], [1], [0, 0, 1, 1], [], []>, transpose_lhs_hint = false} : vector<640x256xf32>, vector<256x128xf32>, vector<640x128xf32> -> vector<640x128xf32>
    %add3A_96 = arith.addf %add3A_86, %dot_general3A_95 : vector<640x128xf32>
    %slice3A_97 = vector.extract_strided_slice %reshape3A {offsets = [0, 10, 0], sizes = [640, 1, 256], strides = [1, 1, 1]} : vector<640x15x256xf32> to vector<640x1x256xf32>
    %squeeze3A_98 = vector.shape_cast %slice3A_97 : vector<640x1x256xf32> to vector<640x256xf32>
    %get3A_99 = arith.constant 10 : index
    %get3A_100 = arith.constant 0 : index
    %get3A_101 = arith.constant 0 : index
    %get3A_102 = vector.load %arg2[%get3A_99, %get3A_100, %get3A_101] : memref<15x256x128xf32, #tpu.memory_space<vmem>>, vector<1x256x128xf32>
    %get3A_103 = vector.shape_cast %get3A_102 : vector<1x256x128xf32> to vector<256x128xf32>
    %dot_general3A_104 = arith.constant dense<0.000000e+00> : vector<640x128xf32>
    %dot_general3A_105 = tpu.matmul %squeeze3A_98, %get3A_103, %dot_general3A_104 {dimension_numbers = #tpu.dot_dimension_numbers<[1], [0], [0], [1], [0, 0, 1, 1], [], []>, transpose_lhs_hint = false} : vector<640x256xf32>, vector<256x128xf32>, vector<640x128xf32> -> vector<640x128xf32>
    %add3A_106 = arith.addf %add3A_96, %dot_general3A_105 : vector<640x128xf32>
    %slice3A_107 = vector.extract_strided_slice %reshape3A {offsets = [0, 11, 0], sizes = [640, 1, 256], strides = [1, 1, 1]} : vector<640x15x256xf32> to vector<640x1x256xf32>
    %squeeze3A_108 = vector.shape_cast %slice3A_107 : vector<640x1x256xf32> to vector<640x256xf32>
    %get3A_109 = arith.constant 11 : index
    %get3A_110 = arith.constant 0 : index
    %get3A_111 = arith.constant 0 : index
    %get3A_112 = vector.load %arg2[%get3A_109, %get3A_110, %get3A_111] : memref<15x256x128xf32, #tpu.memory_space<vmem>>, vector<1x256x128xf32>
    %get3A_113 = vector.shape_cast %get3A_112 : vector<1x256x128xf32> to vector<256x128xf32>
    %dot_general3A_114 = arith.constant dense<0.000000e+00> : vector<640x128xf32>
    %dot_general3A_115 = tpu.matmul %squeeze3A_108, %get3A_113, %dot_general3A_114 {dimension_numbers = #tpu.dot_dimension_numbers<[1], [0], [0], [1], [0, 0, 1, 1], [], []>, transpose_lhs_hint = false} : vector<640x256xf32>, vector<256x128xf32>, vector<640x128xf32> -> vector<640x128xf32>
    %add3A_116 = arith.addf %add3A_106, %dot_general3A_115 : vector<640x128xf32>
    %slice3A_117 = vector.extract_strided_slice %reshape3A {offsets = [0, 12, 0], sizes = [640, 1, 256], strides = [1, 1, 1]} : vector<640x15x256xf32> to vector<640x1x256xf32>
    %squeeze3A_118 = vector.shape_cast %slice3A_117 : vector<640x1x256xf32> to vector<640x256xf32>
    %get3A_119 = arith.constant 12 : index
    %get3A_120 = arith.constant 0 : index
    %get3A_121 = arith.constant 0 : index
    %get3A_122 = vector.load %arg2[%get3A_119, %get3A_120, %get3A_121] : memref<15x256x128xf32, #tpu.memory_space<vmem>>, vector<1x256x128xf32>
    %get3A_123 = vector.shape_cast %get3A_122 : vector<1x256x128xf32> to vector<256x128xf32>
    %dot_general3A_124 = arith.constant dense<0.000000e+00> : vector<640x128xf32>
    %dot_general3A_125 = tpu.matmul %squeeze3A_118, %get3A_123, %dot_general3A_124 {dimension_numbers = #tpu.dot_dimension_numbers<[1], [0], [0], [1], [0, 0, 1, 1], [], []>, transpose_lhs_hint = false} : vector<640x256xf32>, vector<256x128xf32>, vector<640x128xf32> -> vector<640x128xf32>
    %add3A_126 = arith.addf %add3A_116, %dot_general3A_125 : vector<640x128xf32>
    %slice3A_127 = vector.extract_strided_slice %reshape3A {offsets = [0, 13, 0], sizes = [640, 1, 256], strides = [1, 1, 1]} : vector<640x15x256xf32> to vector<640x1x256xf32>
    %squeeze3A_128 = vector.shape_cast %slice3A_127 : vector<640x1x256xf32> to vector<640x256xf32>
    %get3A_129 = arith.constant 13 : index
    %get3A_130 = arith.constant 0 : index
    %get3A_131 = arith.constant 0 : index
    %get3A_132 = vector.load %arg2[%get3A_129, %get3A_130, %get3A_131] : memref<15x256x128xf32, #tpu.memory_space<vmem>>, vector<1x256x128xf32>
    %get3A_133 = vector.shape_cast %get3A_132 : vector<1x256x128xf32> to vector<256x128xf32>
    %dot_general3A_134 = arith.constant dense<0.000000e+00> : vector<640x128xf32>
    %dot_general3A_135 = tpu.matmul %squeeze3A_128, %get3A_133, %dot_general3A_134 {dimension_numbers = #tpu.dot_dimension_numbers<[1], [0], [0], [1], [0, 0, 1, 1], [], []>, transpose_lhs_hint = false} : vector<640x256xf32>, vector<256x128xf32>, vector<640x128xf32> -> vector<640x128xf32>
    %add3A_136 = arith.addf %add3A_126, %dot_general3A_135 : vector<640x128xf32>
    %slice3A_137 = vector.extract_strided_slice %reshape3A {offsets = [0, 14, 0], sizes = [640, 1, 256], strides = [1, 1, 1]} : vector<640x15x256xf32> to vector<640x1x256xf32>
    %squeeze3A_138 = vector.shape_cast %slice3A_137 : vector<640x1x256xf32> to vector<640x256xf32>
    %get3A_139 = arith.constant 14 : index
    %get3A_140 = arith.constant 0 : index
    %get3A_141 = arith.constant 0 : index
    %get3A_142 = vector.load %arg2[%get3A_139, %get3A_140, %get3A_141] : memref<15x256x128xf32, #tpu.memory_space<vmem>>, vector<1x256x128xf32>
    %get3A_143 = vector.shape_cast %get3A_142 : vector<1x256x128xf32> to vector<256x128xf32>
    %dot_general3A_144 = arith.constant dense<0.000000e+00> : vector<640x128xf32>
    %dot_general3A_145 = tpu.matmul %squeeze3A_138, %get3A_143, %dot_general3A_144 {dimension_numbers = #tpu.dot_dimension_numbers<[1], [0], [0], [1], [0, 0, 1, 1], [], []>, transpose_lhs_hint = false} : vector<640x256xf32>, vector<256x128xf32>, vector<640x128xf32> -> vector<640x128xf32>
    %add3A_146 = arith.addf %add3A_136, %dot_general3A_145 : vector<640x128xf32>
    %get3A_147 = arith.constant 0 : index
    %get3A_148 = arith.constant 0 : index
    %get3A_149 = vector.load %arg3[%get3A_147, %get3A_148] : memref<1x128xf32, #tpu.memory_space<vmem>>, vector<1x128xf32>
    %add3A_150 = vector.broadcast %get3A_149 : vector<1x128xf32> to vector<640x128xf32>
    %add3A_151 = arith.addf %add3A_146, %add3A_150 : vector<640x128xf32>
    %gt3A = arith.constant 0.000000e+00 : f32
    %gt3A_152 = vector.broadcast %gt3A : f32 to vector<640x128xf32>
    %gt3A_153 = arith.cmpf ogt, %add3A_151, %gt3A_152 : vector<640x128xf32>
    %min3A = arith.constant 0.000000e+00 : f32
    %min3A_154 = vector.broadcast %min3A : f32 to vector<640x128xf32>
    %min3A_155 = arith.minimumf %add3A_151, %min3A_154 : vector<640x128xf32>
    %exp3A = math.exp %min3A_155 : vector<640x128xf32>
    %sub3A = arith.constant 1.000000e+00 : f32
    %sub3A_156 = vector.broadcast %sub3A : f32 to vector<640x128xf32>
    %sub3A_157 = arith.subf %exp3A, %sub3A_156 : vector<640x128xf32>
    %select_n3A = arith.select %gt3A_153, %add3A_151, %sub3A_157 : vector<640x128xi1>, vector<640x128xf32>
    %get3A_158 = arith.constant 0 : index
    %get3A_159 = arith.constant 0 : index
    %get3A_160 = vector.load %arg4[%get3A_158, %get3A_159] : memref<640x1xf32, #tpu.memory_space<vmem>>, vector<640x1xf32>
    %mul3A = vector.broadcast %get3A_160 : vector<640x1xf32> to vector<640x128xf32>
    %mul3A_161 = arith.mulf %select_n3A, %mul3A : vector<640x128xf32>
    %swap3A = arith.constant 0 : index
    %swap3A_162 = arith.constant 0 : index
    %swap3A_163 = vector.load %arg5[%swap3A, %swap3A_162] : memref<640x128xf32, #tpu.memory_space<vmem>>, vector<640x128xf32>
    tpu.vector_store %arg5[%swap3A, %swap3A_162], %mul3A_161 {strides = array<i32>} : memref<640x128xf32, #tpu.memory_space<vmem>>, vector<640x128xf32>,
    return
  }
  func.func @transform_0(%arg0: i32) -> (i32, i32) {
    %c0_i32 = arith.constant 0 : i32
    %c0_i32_0 = arith.constant 0 : i32
    return %arg0, %c0_i32 : i32, i32
  }
  func.func @transform_1(%arg0: i32) -> (i32, i32, i32) {
    %c0_i32 = arith.constant 0 : i32
    %c0_i32_0 = arith.constant 0 : i32
    %c0_i32_1 = arith.constant 0 : i32
    %c0_i32_2 = arith.constant 0 : i32
    return %c0_i32, %c0_i32_0, %c0_i32_1 : i32, i32, i32
  }
  func.func @transform_2(%arg0: i32) -> (i32, i32) {
    %c0_i32 = arith.constant 0 : i32
    %c0_i32_0 = arith.constant 0 : i32
    %c0_i32_1 = arith.constant 0 : i32
    return %c0_i32, %c0_i32_0 : i32, i32
  }
  func.func @transform_3(%arg0: i32) -> (i32, i32) {
    %c0_i32 = arith.constant 0 : i32
    %c0_i32_0 = arith.constant 0 : i32
    return %arg0, %c0_i32 : i32, i32
  }
  func.func @transform_4(%arg0: i32) -> (i32, i32) {
    %c0_i32 = arith.constant 0 : i32
    %c0_i32_0 = arith.constant 0 : i32
    return %arg0, %c0_i32 : i32, i32
  }
}

module attributes {stable_mosaic.version = 14 : i64} {
  func.func @kern(%arg0: i32, %arg1: memref<2501x1024xf32, #tpu.memory_space<vmem>>, %arg2: memref<2501x128xf32, #tpu.memory_space<vmem>>, %arg3: memref<1024x128xf32, #tpu.memory_space<vmem>>) attributes {dimension_semantics = [#tpu.dimension_semantics<arbitrary>], iteration_bounds = array<i64: 10>, scalar_prefetch = 0 : i64, scratch_operands = 0 : i64, tpu.core_type = #tpu.core_type<tc>, window_params = [{transform_indices = @transform_0, window_bounds = array<i64: 2501, 1024>}, {pipeline_mode = #tpu.pipeline_mode<synchronous>, transform_indices = @transform_1, window_bounds = array<i64: 2501, 128>}, {transform_indices = @transform_2, window_bounds = array<i64: 1024, 128>}]} {
    %get3A = arith.constant 0 : index
    %get3A_0 = arith.constant 0 : index
    %get3A_1 = vector.load %arg1[%get3A, %get3A_0] : memref<2501x1024xf32, #tpu.memory_space<vmem>>, vector<2501x1024xf32>
    %get3A_2 = arith.constant 0 : index
    %get3A_3 = arith.constant 0 : index
    %get3A_4 = vector.load %arg2[%get3A_2, %get3A_3] : memref<2501x128xf32, #tpu.memory_space<vmem>>, vector<2501x128xf32>
    %dot_general3A = arith.constant dense<0.000000e+00> : vector<1024x128xf32>
    %dot_general3A_5 = tpu.matmul %get3A_1, %get3A_4, %dot_general3A {dimension_numbers = #tpu.dot_dimension_numbers<[0], [0], [1], [1], [0, 1, 1, 1], [], []>, transpose_lhs_hint = false} : vector<2501x1024xf32>, vector<2501x128xf32>, vector<1024x128xf32> -> vector<1024x128xf32>
    %swap3A = arith.constant 0 : index
    %swap3A_6 = arith.constant 0 : index
    %swap3A_7 = vector.load %arg3[%swap3A, %swap3A_6] : memref<1024x128xf32, #tpu.memory_space<vmem>>, vector<1024x128xf32>
    tpu.vector_store %arg3[%swap3A, %swap3A_6], %dot_general3A_5 {strides = array<i32>} : memref<1024x128xf32, #tpu.memory_space<vmem>>, vector<1024x128xf32>,
    return
  }
  func.func @transform_0(%arg0: i32) -> (i32, i32) {
    %c0_i32 = arith.constant 0 : i32
    %c0_i32_0 = arith.constant 0 : i32
    return %c0_i32, %arg0 : i32, i32
  }
  func.func @transform_1(%arg0: i32) -> (i32, i32) {
    %c0_i32 = arith.constant 0 : i32
    %c0_i32_0 = arith.constant 0 : i32
    %c0_i32_1 = arith.constant 0 : i32
    return %c0_i32, %c0_i32_0 : i32, i32
  }
  func.func @transform_2(%arg0: i32) -> (i32, i32) {
    %c0_i32 = arith.constant 0 : i32
    %c0_i32_0 = arith.constant 0 : i32
    return %arg0, %c0_i32 : i32, i32
  }
}

module attributes {stable_mosaic.version = 14 : i64} {
  func.func @kern(%arg0: i32, %arg1: memref<25280x128xf32, #tpu.memory_space<vmem>>, %arg2: memref<20x128x24xf32, #tpu.memory_space<vmem>>, %arg3: memref<1x24xf32, #tpu.memory_space<vmem>>, %arg4: memref<1264x1xf32, #tpu.memory_space<vmem>>, %arg5: memref<1264x24xf32, #tpu.memory_space<vmem>>) attributes {dimension_semantics = [#tpu.dimension_semantics<arbitrary>], iteration_bounds = array<i64: 8>, scalar_prefetch = 0 : i64, scratch_operands = 0 : i64, tpu.core_type = #tpu.core_type<tc>, window_params = [{transform_indices = @transform_0, window_bounds = array<i64: 25280, 128>}, {pipeline_mode = #tpu.pipeline_mode<synchronous>, transform_indices = @transform_1, window_bounds = array<i64: 20, 128, 24>}, {pipeline_mode = #tpu.pipeline_mode<synchronous>, transform_indices = @transform_2, window_bounds = array<i64: 1, 24>}, {transform_indices = @transform_3, window_bounds = array<i64: 1264, 1>}, {transform_indices = @transform_4, window_bounds = array<i64: 1264, 24>}]} {
    %get3A = arith.constant 0 : index
    %get3A_0 = arith.constant 0 : index
    %get3A_1 = vector.load %arg1[%get3A, %get3A_0] : memref<25280x128xf32, #tpu.memory_space<vmem>>, vector<25280x128xf32>
    %reshape3A = vector.shape_cast %get3A_1 : vector<25280x128xf32> to vector<1264x20x128xf32>
    %slice3A = vector.extract_strided_slice %reshape3A {offsets = [0, 0, 0], sizes = [1264, 1, 128], strides = [1, 1, 1]} : vector<1264x20x128xf32> to vector<1264x1x128xf32>
    %squeeze3A = vector.shape_cast %slice3A : vector<1264x1x128xf32> to vector<1264x128xf32>
    %get3A_2 = arith.constant 0 : index
    %get3A_3 = arith.constant 0 : index
    %get3A_4 = arith.constant 0 : index
    %get3A_5 = vector.load %arg2[%get3A_2, %get3A_3, %get3A_4] : memref<20x128x24xf32, #tpu.memory_space<vmem>>, vector<1x128x24xf32>
    %get3A_6 = vector.shape_cast %get3A_5 : vector<1x128x24xf32> to vector<128x24xf32>
    %dot_general3A = arith.constant dense<0.000000e+00> : vector<1264x24xf32>
    %dot_general3A_7 = tpu.matmul %squeeze3A, %get3A_6, %dot_general3A {dimension_numbers = #tpu.dot_dimension_numbers<[1], [0], [0], [1], [0, 0, 1, 1], [], []>, transpose_lhs_hint = false} : vector<1264x128xf32>, vector<128x24xf32>, vector<1264x24xf32> -> vector<1264x24xf32>
    %slice3A_8 = vector.extract_strided_slice %reshape3A {offsets = [0, 1, 0], sizes = [1264, 1, 128], strides = [1, 1, 1]} : vector<1264x20x128xf32> to vector<1264x1x128xf32>
    %squeeze3A_9 = vector.shape_cast %slice3A_8 : vector<1264x1x128xf32> to vector<1264x128xf32>
    %get3A_10 = arith.constant 1 : index
    %get3A_11 = arith.constant 0 : index
    %get3A_12 = arith.constant 0 : index
    %get3A_13 = vector.load %arg2[%get3A_10, %get3A_11, %get3A_12] : memref<20x128x24xf32, #tpu.memory_space<vmem>>, vector<1x128x24xf32>
    %get3A_14 = vector.shape_cast %get3A_13 : vector<1x128x24xf32> to vector<128x24xf32>
    %dot_general3A_15 = arith.constant dense<0.000000e+00> : vector<1264x24xf32>
    %dot_general3A_16 = tpu.matmul %squeeze3A_9, %get3A_14, %dot_general3A_15 {dimension_numbers = #tpu.dot_dimension_numbers<[1], [0], [0], [1], [0, 0, 1, 1], [], []>, transpose_lhs_hint = false} : vector<1264x128xf32>, vector<128x24xf32>, vector<1264x24xf32> -> vector<1264x24xf32>
    %add3A = arith.addf %dot_general3A_7, %dot_general3A_16 : vector<1264x24xf32>
    %slice3A_17 = vector.extract_strided_slice %reshape3A {offsets = [0, 2, 0], sizes = [1264, 1, 128], strides = [1, 1, 1]} : vector<1264x20x128xf32> to vector<1264x1x128xf32>
    %squeeze3A_18 = vector.shape_cast %slice3A_17 : vector<1264x1x128xf32> to vector<1264x128xf32>
    %get3A_19 = arith.constant 2 : index
    %get3A_20 = arith.constant 0 : index
    %get3A_21 = arith.constant 0 : index
    %get3A_22 = vector.load %arg2[%get3A_19, %get3A_20, %get3A_21] : memref<20x128x24xf32, #tpu.memory_space<vmem>>, vector<1x128x24xf32>
    %get3A_23 = vector.shape_cast %get3A_22 : vector<1x128x24xf32> to vector<128x24xf32>
    %dot_general3A_24 = arith.constant dense<0.000000e+00> : vector<1264x24xf32>
    %dot_general3A_25 = tpu.matmul %squeeze3A_18, %get3A_23, %dot_general3A_24 {dimension_numbers = #tpu.dot_dimension_numbers<[1], [0], [0], [1], [0, 0, 1, 1], [], []>, transpose_lhs_hint = false} : vector<1264x128xf32>, vector<128x24xf32>, vector<1264x24xf32> -> vector<1264x24xf32>
    %add3A_26 = arith.addf %add3A, %dot_general3A_25 : vector<1264x24xf32>
    %slice3A_27 = vector.extract_strided_slice %reshape3A {offsets = [0, 3, 0], sizes = [1264, 1, 128], strides = [1, 1, 1]} : vector<1264x20x128xf32> to vector<1264x1x128xf32>
    %squeeze3A_28 = vector.shape_cast %slice3A_27 : vector<1264x1x128xf32> to vector<1264x128xf32>
    %get3A_29 = arith.constant 3 : index
    %get3A_30 = arith.constant 0 : index
    %get3A_31 = arith.constant 0 : index
    %get3A_32 = vector.load %arg2[%get3A_29, %get3A_30, %get3A_31] : memref<20x128x24xf32, #tpu.memory_space<vmem>>, vector<1x128x24xf32>
    %get3A_33 = vector.shape_cast %get3A_32 : vector<1x128x24xf32> to vector<128x24xf32>
    %dot_general3A_34 = arith.constant dense<0.000000e+00> : vector<1264x24xf32>
    %dot_general3A_35 = tpu.matmul %squeeze3A_28, %get3A_33, %dot_general3A_34 {dimension_numbers = #tpu.dot_dimension_numbers<[1], [0], [0], [1], [0, 0, 1, 1], [], []>, transpose_lhs_hint = false} : vector<1264x128xf32>, vector<128x24xf32>, vector<1264x24xf32> -> vector<1264x24xf32>
    %add3A_36 = arith.addf %add3A_26, %dot_general3A_35 : vector<1264x24xf32>
    %slice3A_37 = vector.extract_strided_slice %reshape3A {offsets = [0, 4, 0], sizes = [1264, 1, 128], strides = [1, 1, 1]} : vector<1264x20x128xf32> to vector<1264x1x128xf32>
    %squeeze3A_38 = vector.shape_cast %slice3A_37 : vector<1264x1x128xf32> to vector<1264x128xf32>
    %get3A_39 = arith.constant 4 : index
    %get3A_40 = arith.constant 0 : index
    %get3A_41 = arith.constant 0 : index
    %get3A_42 = vector.load %arg2[%get3A_39, %get3A_40, %get3A_41] : memref<20x128x24xf32, #tpu.memory_space<vmem>>, vector<1x128x24xf32>
    %get3A_43 = vector.shape_cast %get3A_42 : vector<1x128x24xf32> to vector<128x24xf32>
    %dot_general3A_44 = arith.constant dense<0.000000e+00> : vector<1264x24xf32>
    %dot_general3A_45 = tpu.matmul %squeeze3A_38, %get3A_43, %dot_general3A_44 {dimension_numbers = #tpu.dot_dimension_numbers<[1], [0], [0], [1], [0, 0, 1, 1], [], []>, transpose_lhs_hint = false} : vector<1264x128xf32>, vector<128x24xf32>, vector<1264x24xf32> -> vector<1264x24xf32>
    %add3A_46 = arith.addf %add3A_36, %dot_general3A_45 : vector<1264x24xf32>
    %slice3A_47 = vector.extract_strided_slice %reshape3A {offsets = [0, 5, 0], sizes = [1264, 1, 128], strides = [1, 1, 1]} : vector<1264x20x128xf32> to vector<1264x1x128xf32>
    %squeeze3A_48 = vector.shape_cast %slice3A_47 : vector<1264x1x128xf32> to vector<1264x128xf32>
    %get3A_49 = arith.constant 5 : index
    %get3A_50 = arith.constant 0 : index
    %get3A_51 = arith.constant 0 : index
    %get3A_52 = vector.load %arg2[%get3A_49, %get3A_50, %get3A_51] : memref<20x128x24xf32, #tpu.memory_space<vmem>>, vector<1x128x24xf32>
    %get3A_53 = vector.shape_cast %get3A_52 : vector<1x128x24xf32> to vector<128x24xf32>
    %dot_general3A_54 = arith.constant dense<0.000000e+00> : vector<1264x24xf32>
    %dot_general3A_55 = tpu.matmul %squeeze3A_48, %get3A_53, %dot_general3A_54 {dimension_numbers = #tpu.dot_dimension_numbers<[1], [0], [0], [1], [0, 0, 1, 1], [], []>, transpose_lhs_hint = false} : vector<1264x128xf32>, vector<128x24xf32>, vector<1264x24xf32> -> vector<1264x24xf32>
    %add3A_56 = arith.addf %add3A_46, %dot_general3A_55 : vector<1264x24xf32>
    %slice3A_57 = vector.extract_strided_slice %reshape3A {offsets = [0, 6, 0], sizes = [1264, 1, 128], strides = [1, 1, 1]} : vector<1264x20x128xf32> to vector<1264x1x128xf32>
    %squeeze3A_58 = vector.shape_cast %slice3A_57 : vector<1264x1x128xf32> to vector<1264x128xf32>
    %get3A_59 = arith.constant 6 : index
    %get3A_60 = arith.constant 0 : index
    %get3A_61 = arith.constant 0 : index
    %get3A_62 = vector.load %arg2[%get3A_59, %get3A_60, %get3A_61] : memref<20x128x24xf32, #tpu.memory_space<vmem>>, vector<1x128x24xf32>
    %get3A_63 = vector.shape_cast %get3A_62 : vector<1x128x24xf32> to vector<128x24xf32>
    %dot_general3A_64 = arith.constant dense<0.000000e+00> : vector<1264x24xf32>
    %dot_general3A_65 = tpu.matmul %squeeze3A_58, %get3A_63, %dot_general3A_64 {dimension_numbers = #tpu.dot_dimension_numbers<[1], [0], [0], [1], [0, 0, 1, 1], [], []>, transpose_lhs_hint = false} : vector<1264x128xf32>, vector<128x24xf32>, vector<1264x24xf32> -> vector<1264x24xf32>
    %add3A_66 = arith.addf %add3A_56, %dot_general3A_65 : vector<1264x24xf32>
    %slice3A_67 = vector.extract_strided_slice %reshape3A {offsets = [0, 7, 0], sizes = [1264, 1, 128], strides = [1, 1, 1]} : vector<1264x20x128xf32> to vector<1264x1x128xf32>
    %squeeze3A_68 = vector.shape_cast %slice3A_67 : vector<1264x1x128xf32> to vector<1264x128xf32>
    %get3A_69 = arith.constant 7 : index
    %get3A_70 = arith.constant 0 : index
    %get3A_71 = arith.constant 0 : index
    %get3A_72 = vector.load %arg2[%get3A_69, %get3A_70, %get3A_71] : memref<20x128x24xf32, #tpu.memory_space<vmem>>, vector<1x128x24xf32>
    %get3A_73 = vector.shape_cast %get3A_72 : vector<1x128x24xf32> to vector<128x24xf32>
    %dot_general3A_74 = arith.constant dense<0.000000e+00> : vector<1264x24xf32>
    %dot_general3A_75 = tpu.matmul %squeeze3A_68, %get3A_73, %dot_general3A_74 {dimension_numbers = #tpu.dot_dimension_numbers<[1], [0], [0], [1], [0, 0, 1, 1], [], []>, transpose_lhs_hint = false} : vector<1264x128xf32>, vector<128x24xf32>, vector<1264x24xf32> -> vector<1264x24xf32>
    %add3A_76 = arith.addf %add3A_66, %dot_general3A_75 : vector<1264x24xf32>
    %slice3A_77 = vector.extract_strided_slice %reshape3A {offsets = [0, 8, 0], sizes = [1264, 1, 128], strides = [1, 1, 1]} : vector<1264x20x128xf32> to vector<1264x1x128xf32>
    %squeeze3A_78 = vector.shape_cast %slice3A_77 : vector<1264x1x128xf32> to vector<1264x128xf32>
    %get3A_79 = arith.constant 8 : index
    %get3A_80 = arith.constant 0 : index
    %get3A_81 = arith.constant 0 : index
    %get3A_82 = vector.load %arg2[%get3A_79, %get3A_80, %get3A_81] : memref<20x128x24xf32, #tpu.memory_space<vmem>>, vector<1x128x24xf32>
    %get3A_83 = vector.shape_cast %get3A_82 : vector<1x128x24xf32> to vector<128x24xf32>
    %dot_general3A_84 = arith.constant dense<0.000000e+00> : vector<1264x24xf32>
    %dot_general3A_85 = tpu.matmul %squeeze3A_78, %get3A_83, %dot_general3A_84 {dimension_numbers = #tpu.dot_dimension_numbers<[1], [0], [0], [1], [0, 0, 1, 1], [], []>, transpose_lhs_hint = false} : vector<1264x128xf32>, vector<128x24xf32>, vector<1264x24xf32> -> vector<1264x24xf32>
    %add3A_86 = arith.addf %add3A_76, %dot_general3A_85 : vector<1264x24xf32>
    %slice3A_87 = vector.extract_strided_slice %reshape3A {offsets = [0, 9, 0], sizes = [1264, 1, 128], strides = [1, 1, 1]} : vector<1264x20x128xf32> to vector<1264x1x128xf32>
    %squeeze3A_88 = vector.shape_cast %slice3A_87 : vector<1264x1x128xf32> to vector<1264x128xf32>
    %get3A_89 = arith.constant 9 : index
    %get3A_90 = arith.constant 0 : index
    %get3A_91 = arith.constant 0 : index
    %get3A_92 = vector.load %arg2[%get3A_89, %get3A_90, %get3A_91] : memref<20x128x24xf32, #tpu.memory_space<vmem>>, vector<1x128x24xf32>
    %get3A_93 = vector.shape_cast %get3A_92 : vector<1x128x24xf32> to vector<128x24xf32>
    %dot_general3A_94 = arith.constant dense<0.000000e+00> : vector<1264x24xf32>
    %dot_general3A_95 = tpu.matmul %squeeze3A_88, %get3A_93, %dot_general3A_94 {dimension_numbers = #tpu.dot_dimension_numbers<[1], [0], [0], [1], [0, 0, 1, 1], [], []>, transpose_lhs_hint = false} : vector<1264x128xf32>, vector<128x24xf32>, vector<1264x24xf32> -> vector<1264x24xf32>
    %add3A_96 = arith.addf %add3A_86, %dot_general3A_95 : vector<1264x24xf32>
    %slice3A_97 = vector.extract_strided_slice %reshape3A {offsets = [0, 10, 0], sizes = [1264, 1, 128], strides = [1, 1, 1]} : vector<1264x20x128xf32> to vector<1264x1x128xf32>
    %squeeze3A_98 = vector.shape_cast %slice3A_97 : vector<1264x1x128xf32> to vector<1264x128xf32>
    %get3A_99 = arith.constant 10 : index
    %get3A_100 = arith.constant 0 : index
    %get3A_101 = arith.constant 0 : index
    %get3A_102 = vector.load %arg2[%get3A_99, %get3A_100, %get3A_101] : memref<20x128x24xf32, #tpu.memory_space<vmem>>, vector<1x128x24xf32>
    %get3A_103 = vector.shape_cast %get3A_102 : vector<1x128x24xf32> to vector<128x24xf32>
    %dot_general3A_104 = arith.constant dense<0.000000e+00> : vector<1264x24xf32>
    %dot_general3A_105 = tpu.matmul %squeeze3A_98, %get3A_103, %dot_general3A_104 {dimension_numbers = #tpu.dot_dimension_numbers<[1], [0], [0], [1], [0, 0, 1, 1], [], []>, transpose_lhs_hint = false} : vector<1264x128xf32>, vector<128x24xf32>, vector<1264x24xf32> -> vector<1264x24xf32>
    %add3A_106 = arith.addf %add3A_96, %dot_general3A_105 : vector<1264x24xf32>
    %slice3A_107 = vector.extract_strided_slice %reshape3A {offsets = [0, 11, 0], sizes = [1264, 1, 128], strides = [1, 1, 1]} : vector<1264x20x128xf32> to vector<1264x1x128xf32>
    %squeeze3A_108 = vector.shape_cast %slice3A_107 : vector<1264x1x128xf32> to vector<1264x128xf32>
    %get3A_109 = arith.constant 11 : index
    %get3A_110 = arith.constant 0 : index
    %get3A_111 = arith.constant 0 : index
    %get3A_112 = vector.load %arg2[%get3A_109, %get3A_110, %get3A_111] : memref<20x128x24xf32, #tpu.memory_space<vmem>>, vector<1x128x24xf32>
    %get3A_113 = vector.shape_cast %get3A_112 : vector<1x128x24xf32> to vector<128x24xf32>
    %dot_general3A_114 = arith.constant dense<0.000000e+00> : vector<1264x24xf32>
    %dot_general3A_115 = tpu.matmul %squeeze3A_108, %get3A_113, %dot_general3A_114 {dimension_numbers = #tpu.dot_dimension_numbers<[1], [0], [0], [1], [0, 0, 1, 1], [], []>, transpose_lhs_hint = false} : vector<1264x128xf32>, vector<128x24xf32>, vector<1264x24xf32> -> vector<1264x24xf32>
    %add3A_116 = arith.addf %add3A_106, %dot_general3A_115 : vector<1264x24xf32>
    %slice3A_117 = vector.extract_strided_slice %reshape3A {offsets = [0, 12, 0], sizes = [1264, 1, 128], strides = [1, 1, 1]} : vector<1264x20x128xf32> to vector<1264x1x128xf32>
    %squeeze3A_118 = vector.shape_cast %slice3A_117 : vector<1264x1x128xf32> to vector<1264x128xf32>
    %get3A_119 = arith.constant 12 : index
    %get3A_120 = arith.constant 0 : index
    %get3A_121 = arith.constant 0 : index
    %get3A_122 = vector.load %arg2[%get3A_119, %get3A_120, %get3A_121] : memref<20x128x24xf32, #tpu.memory_space<vmem>>, vector<1x128x24xf32>
    %get3A_123 = vector.shape_cast %get3A_122 : vector<1x128x24xf32> to vector<128x24xf32>
    %dot_general3A_124 = arith.constant dense<0.000000e+00> : vector<1264x24xf32>
    %dot_general3A_125 = tpu.matmul %squeeze3A_118, %get3A_123, %dot_general3A_124 {dimension_numbers = #tpu.dot_dimension_numbers<[1], [0], [0], [1], [0, 0, 1, 1], [], []>, transpose_lhs_hint = false} : vector<1264x128xf32>, vector<128x24xf32>, vector<1264x24xf32> -> vector<1264x24xf32>
    %add3A_126 = arith.addf %add3A_116, %dot_general3A_125 : vector<1264x24xf32>
    %slice3A_127 = vector.extract_strided_slice %reshape3A {offsets = [0, 13, 0], sizes = [1264, 1, 128], strides = [1, 1, 1]} : vector<1264x20x128xf32> to vector<1264x1x128xf32>
    %squeeze3A_128 = vector.shape_cast %slice3A_127 : vector<1264x1x128xf32> to vector<1264x128xf32>
    %get3A_129 = arith.constant 13 : index
    %get3A_130 = arith.constant 0 : index
    %get3A_131 = arith.constant 0 : index
    %get3A_132 = vector.load %arg2[%get3A_129, %get3A_130, %get3A_131] : memref<20x128x24xf32, #tpu.memory_space<vmem>>, vector<1x128x24xf32>
    %get3A_133 = vector.shape_cast %get3A_132 : vector<1x128x24xf32> to vector<128x24xf32>
    %dot_general3A_134 = arith.constant dense<0.000000e+00> : vector<1264x24xf32>
    %dot_general3A_135 = tpu.matmul %squeeze3A_128, %get3A_133, %dot_general3A_134 {dimension_numbers = #tpu.dot_dimension_numbers<[1], [0], [0], [1], [0, 0, 1, 1], [], []>, transpose_lhs_hint = false} : vector<1264x128xf32>, vector<128x24xf32>, vector<1264x24xf32> -> vector<1264x24xf32>
    %add3A_136 = arith.addf %add3A_126, %dot_general3A_135 : vector<1264x24xf32>
    %slice3A_137 = vector.extract_strided_slice %reshape3A {offsets = [0, 14, 0], sizes = [1264, 1, 128], strides = [1, 1, 1]} : vector<1264x20x128xf32> to vector<1264x1x128xf32>
    %squeeze3A_138 = vector.shape_cast %slice3A_137 : vector<1264x1x128xf32> to vector<1264x128xf32>
    %get3A_139 = arith.constant 14 : index
    %get3A_140 = arith.constant 0 : index
    %get3A_141 = arith.constant 0 : index
    %get3A_142 = vector.load %arg2[%get3A_139, %get3A_140, %get3A_141] : memref<20x128x24xf32, #tpu.memory_space<vmem>>, vector<1x128x24xf32>
    %get3A_143 = vector.shape_cast %get3A_142 : vector<1x128x24xf32> to vector<128x24xf32>
    %dot_general3A_144 = arith.constant dense<0.000000e+00> : vector<1264x24xf32>
    %dot_general3A_145 = tpu.matmul %squeeze3A_138, %get3A_143, %dot_general3A_144 {dimension_numbers = #tpu.dot_dimension_numbers<[1], [0], [0], [1], [0, 0, 1, 1], [], []>, transpose_lhs_hint = false} : vector<1264x128xf32>, vector<128x24xf32>, vector<1264x24xf32> -> vector<1264x24xf32>
    %add3A_146 = arith.addf %add3A_136, %dot_general3A_145 : vector<1264x24xf32>
    %slice3A_147 = vector.extract_strided_slice %reshape3A {offsets = [0, 15, 0], sizes = [1264, 1, 128], strides = [1, 1, 1]} : vector<1264x20x128xf32> to vector<1264x1x128xf32>
    %squeeze3A_148 = vector.shape_cast %slice3A_147 : vector<1264x1x128xf32> to vector<1264x128xf32>
    %get3A_149 = arith.constant 15 : index
    %get3A_150 = arith.constant 0 : index
    %get3A_151 = arith.constant 0 : index
    %get3A_152 = vector.load %arg2[%get3A_149, %get3A_150, %get3A_151] : memref<20x128x24xf32, #tpu.memory_space<vmem>>, vector<1x128x24xf32>
    %get3A_153 = vector.shape_cast %get3A_152 : vector<1x128x24xf32> to vector<128x24xf32>
    %dot_general3A_154 = arith.constant dense<0.000000e+00> : vector<1264x24xf32>
    %dot_general3A_155 = tpu.matmul %squeeze3A_148, %get3A_153, %dot_general3A_154 {dimension_numbers = #tpu.dot_dimension_numbers<[1], [0], [0], [1], [0, 0, 1, 1], [], []>, transpose_lhs_hint = false} : vector<1264x128xf32>, vector<128x24xf32>, vector<1264x24xf32> -> vector<1264x24xf32>
    %add3A_156 = arith.addf %add3A_146, %dot_general3A_155 : vector<1264x24xf32>
    %slice3A_157 = vector.extract_strided_slice %reshape3A {offsets = [0, 16, 0], sizes = [1264, 1, 128], strides = [1, 1, 1]} : vector<1264x20x128xf32> to vector<1264x1x128xf32>
    %squeeze3A_158 = vector.shape_cast %slice3A_157 : vector<1264x1x128xf32> to vector<1264x128xf32>
    %get3A_159 = arith.constant 16 : index
    %get3A_160 = arith.constant 0 : index
    %get3A_161 = arith.constant 0 : index
    %get3A_162 = vector.load %arg2[%get3A_159, %get3A_160, %get3A_161] : memref<20x128x24xf32, #tpu.memory_space<vmem>>, vector<1x128x24xf32>
    %get3A_163 = vector.shape_cast %get3A_162 : vector<1x128x24xf32> to vector<128x24xf32>
    %dot_general3A_164 = arith.constant dense<0.000000e+00> : vector<1264x24xf32>
    %dot_general3A_165 = tpu.matmul %squeeze3A_158, %get3A_163, %dot_general3A_164 {dimension_numbers = #tpu.dot_dimension_numbers<[1], [0], [0], [1], [0, 0, 1, 1], [], []>, transpose_lhs_hint = false} : vector<1264x128xf32>, vector<128x24xf32>, vector<1264x24xf32> -> vector<1264x24xf32>
    %add3A_166 = arith.addf %add3A_156, %dot_general3A_165 : vector<1264x24xf32>
    %slice3A_167 = vector.extract_strided_slice %reshape3A {offsets = [0, 17, 0], sizes = [1264, 1, 128], strides = [1, 1, 1]} : vector<1264x20x128xf32> to vector<1264x1x128xf32>
    %squeeze3A_168 = vector.shape_cast %slice3A_167 : vector<1264x1x128xf32> to vector<1264x128xf32>
    %get3A_169 = arith.constant 17 : index
    %get3A_170 = arith.constant 0 : index
    %get3A_171 = arith.constant 0 : index
    %get3A_172 = vector.load %arg2[%get3A_169, %get3A_170, %get3A_171] : memref<20x128x24xf32, #tpu.memory_space<vmem>>, vector<1x128x24xf32>
    %get3A_173 = vector.shape_cast %get3A_172 : vector<1x128x24xf32> to vector<128x24xf32>
    %dot_general3A_174 = arith.constant dense<0.000000e+00> : vector<1264x24xf32>
    %dot_general3A_175 = tpu.matmul %squeeze3A_168, %get3A_173, %dot_general3A_174 {dimension_numbers = #tpu.dot_dimension_numbers<[1], [0], [0], [1], [0, 0, 1, 1], [], []>, transpose_lhs_hint = false} : vector<1264x128xf32>, vector<128x24xf32>, vector<1264x24xf32> -> vector<1264x24xf32>
    %add3A_176 = arith.addf %add3A_166, %dot_general3A_175 : vector<1264x24xf32>
    %slice3A_177 = vector.extract_strided_slice %reshape3A {offsets = [0, 18, 0], sizes = [1264, 1, 128], strides = [1, 1, 1]} : vector<1264x20x128xf32> to vector<1264x1x128xf32>
    %squeeze3A_178 = vector.shape_cast %slice3A_177 : vector<1264x1x128xf32> to vector<1264x128xf32>
    %get3A_179 = arith.constant 18 : index
    %get3A_180 = arith.constant 0 : index
    %get3A_181 = arith.constant 0 : index
    %get3A_182 = vector.load %arg2[%get3A_179, %get3A_180, %get3A_181] : memref<20x128x24xf32, #tpu.memory_space<vmem>>, vector<1x128x24xf32>
    %get3A_183 = vector.shape_cast %get3A_182 : vector<1x128x24xf32> to vector<128x24xf32>
    %dot_general3A_184 = arith.constant dense<0.000000e+00> : vector<1264x24xf32>
    %dot_general3A_185 = tpu.matmul %squeeze3A_178, %get3A_183, %dot_general3A_184 {dimension_numbers = #tpu.dot_dimension_numbers<[1], [0], [0], [1], [0, 0, 1, 1], [], []>, transpose_lhs_hint = false} : vector<1264x128xf32>, vector<128x24xf32>, vector<1264x24xf32> -> vector<1264x24xf32>
    %add3A_186 = arith.addf %add3A_176, %dot_general3A_185 : vector<1264x24xf32>
    %slice3A_187 = vector.extract_strided_slice %reshape3A {offsets = [0, 19, 0], sizes = [1264, 1, 128], strides = [1, 1, 1]} : vector<1264x20x128xf32> to vector<1264x1x128xf32>
    %squeeze3A_188 = vector.shape_cast %slice3A_187 : vector<1264x1x128xf32> to vector<1264x128xf32>
    %get3A_189 = arith.constant 19 : index
    %get3A_190 = arith.constant 0 : index
    %get3A_191 = arith.constant 0 : index
    %get3A_192 = vector.load %arg2[%get3A_189, %get3A_190, %get3A_191] : memref<20x128x24xf32, #tpu.memory_space<vmem>>, vector<1x128x24xf32>
    %get3A_193 = vector.shape_cast %get3A_192 : vector<1x128x24xf32> to vector<128x24xf32>
    %dot_general3A_194 = arith.constant dense<0.000000e+00> : vector<1264x24xf32>
    %dot_general3A_195 = tpu.matmul %squeeze3A_188, %get3A_193, %dot_general3A_194 {dimension_numbers = #tpu.dot_dimension_numbers<[1], [0], [0], [1], [0, 0, 1, 1], [], []>, transpose_lhs_hint = false} : vector<1264x128xf32>, vector<128x24xf32>, vector<1264x24xf32> -> vector<1264x24xf32>
    %add3A_196 = arith.addf %add3A_186, %dot_general3A_195 : vector<1264x24xf32>
    %get3A_197 = arith.constant 0 : index
    %get3A_198 = arith.constant 0 : index
    %get3A_199 = vector.load %arg3[%get3A_197, %get3A_198] : memref<1x24xf32, #tpu.memory_space<vmem>>, vector<1x24xf32>
    %add3A_200 = vector.broadcast %get3A_199 : vector<1x24xf32> to vector<1264x24xf32>
    %add3A_201 = arith.addf %add3A_196, %add3A_200 : vector<1264x24xf32>
    %get3A_202 = arith.constant 0 : index
    %get3A_203 = arith.constant 0 : index
    %get3A_204 = vector.load %arg4[%get3A_202, %get3A_203] : memref<1264x1xf32, #tpu.memory_space<vmem>>, vector<1264x1xf32>
    %mul3A = vector.broadcast %get3A_204 : vector<1264x1xf32> to vector<1264x24xf32>
    %mul3A_205 = arith.mulf %add3A_201, %mul3A : vector<1264x24xf32>
    %swap3A = arith.constant 0 : index
    %swap3A_206 = arith.constant 0 : index
    %swap3A_207 = vector.load %arg5[%swap3A, %swap3A_206] : memref<1264x24xf32, #tpu.memory_space<vmem>>, vector<1264x24xf32>
    tpu.vector_store %arg5[%swap3A, %swap3A_206], %mul3A_205 {strides = array<i32>} : memref<1264x24xf32, #tpu.memory_space<vmem>>, vector<1264x24xf32>,
    return
  }
  func.func @transform_0(%arg0: i32) -> (i32, i32) {
    %c0_i32 = arith.constant 0 : i32
    %c0_i32_0 = arith.constant 0 : i32
    return %arg0, %c0_i32 : i32, i32
  }
  func.func @transform_1(%arg0: i32) -> (i32, i32, i32) {
    %c0_i32 = arith.constant 0 : i32
    %c0_i32_0 = arith.constant 0 : i32
    %c0_i32_1 = arith.constant 0 : i32
    %c0_i32_2 = arith.constant 0 : i32
    return %c0_i32, %c0_i32_0, %c0_i32_1 : i32, i32, i32
  }
  func.func @transform_2(%arg0: i32) -> (i32, i32) {
    %c0_i32 = arith.constant 0 : i32
    %c0_i32_0 = arith.constant 0 : i32
    %c0_i32_1 = arith.constant 0 : i32
    return %c0_i32, %c0_i32_0 : i32, i32
  }
  func.func @transform_3(%arg0: i32) -> (i32, i32) {
    %c0_i32 = arith.constant 0 : i32
    %c0_i32_0 = arith.constant 0 : i32
    return %arg0, %c0_i32 : i32, i32
  }
  func.func @transform_4(%arg0: i32) -> (i32, i32) {
    %c0_i32 = arith.constant 0 : i32
    %c0_i32_0 = arith.constant 0 : i32
    return %arg0, %c0_i32 : i32, i32
  }
}

</mosaic_0001>

<sc_bundles>
// kernel: kernel.12.cloned.1.call-start
scs
__scs_entry_jumppad:
0x0: {  	(pc) =	sbr.rel $0x88, $3  }
0x1: {  	(tag) =	ssettag $0x0;
	lr =	simm.s32 $0x1  }
0x2: {  	[smem:$0x3F92] =	sst lr;
	_ =	strace $0xD0000000  }
0x3: {  	_ = 	snop  }
0x4: {  	_ = 	snop  }
0x5: {  	_ = 	snop  }
0x6: {  	_ = 	snop  }
0x7: {  	_ = 	snop  }
__scs_overlays_trampoline_lowered:
0x8: {  	[smem:$0x3FA1] =	sst s0  }
0x9: {  	[smem:$0x3FA2] =	sst s1  }
0xa: {  	[smem:$0x3FA3] =	sst s2  }
0xb: {  	[smem:$0x3FA4] =	sst s3  }
0xc: {  	[smem:$0x3FA5] =	sst s4  }
0xd: {  	[smem:$0x3FA6] =	sst s5  }
0xe: {  	[smem:$0x3FA7] =	sst s6  }
0xf: {  	[smem:$0x3FA8] =	sst s7  }
0x10: {  	[smem:$0x3FA9] =	sst s8  }
0x11: {  	[smem:$0x3FAA] =	sst s9;
	s0 =	simm.s32 @!p0 $0x0  }
0x12: {  	s1 =	sld [smem:$0x3F90];
	s0 =	simm.s32 @p0 $0x1  }
0x13: {  	[smem:$0x3FAB] =	sst s0;
	s0 =	simm.s32 @!p1 $0x0  }
0x14: {  	s2 =	sld [smem:$0x3F8F];
	s0 =	simm.s32 @p1 $0x1  }
0x15: {  	[smem:$0x3FAC] =	sst s0;
	s0 =	simm.s32 @!p2 $0x0  }
0x16: {  	s3 =	sld [smem:$0x3FDB];
	s0 =	simm.s32 @p2 $0x1  }
0x17: {  	s4 =	simm.s32 $0x1BF5;
	[smem:$0x3FAE] =	sst s0  }
0x18: {  	s0 =	sld [smem:$0x3F91];
	_ =	swait.ge [sflag:s4], $0x0  }
0x19: {  	s7 =	sld [smem:$0x3F92]  }
0x1a: {  	s8 =	sadd.s32 $0xFFFFE003, lr  }
0x1b: {  	s9 =	sadd.s32 $0xFFFFFEF7, lr;
	s5 =	simm.s32 $0xFFFFFFFF;
	p2 =	slt.u32 s8, $0xFFFFF086  }
0x1c: {  	p1 =	slt.u32 s9, $0xF7A;
	s5 =	simm.s32 @!p2 $0x0  }
0x1d: {  	s5 =	simm.s32 @p1 $0x1;
	p0 =	seq.s32 s7, s2  }
0x1e: {  	s7 =	smul.u32 @!p0 $0xF7A, s2;
	p2 =	seq.s32 @!p0 s5, $0x0  }
0x1f: {  	s9 =	smul.u32 $0xF7A, s1;
	s8 =	simm.s32 @!p0 $0x1BF5;
	p2 =	por !p2, p0  }
0x20: {  	[sflag:s8] =	ssyncset.s32 @!p0 $0xFFFFF086;
	s6 =	sadd.s32 @!p0 s3, s7;
	s7 =	simm.s32 @!p0 $0x108  }
0x21: {  	s3 =	sadd.s32 s3, s9;
	s6 =	sadd.s32 @!p0 $0x88, s6;
	s7 =	simm.s32 @p2 $0x1082  }
0x22: {  	[simem:s7], [sflag:s8] =	dma.local @!p0 [hbm:s6], $0xF7A  }
0x23: {  	s9 =	sor.u32 $0xD0000000, s2;
	s6 =	simm.s32 $0x108;
	_ =	swait.ge @!p0 [sflag:s8], $0x0  }
0x24: {  	s3 =	sadd.s32 $0x88, s3;
	s6 =	simm.s32 @!p1 $0x1082;
	[sflag:s4] =	ssyncset.s32 $0xFFFFF086  }
0x25: {  	[simem:s6], [sflag:s4] =	dma.local [hbm:s3], $0xF7A  }
0x26: {  	[smem:$0x3F92] =	sst s1;
	(tag) =	ssettag s2;
	_ =	strace s9  }
0x27: {  	s1 =	sld [smem:$0x3FA2]  }
0x28: {  	s2 =	sld [smem:$0x3FA3]  }
0x29: {  	s4 =	sld [smem:$0x3FA5]  }
0x2a: {  	p0 =	seq.s32 s5, $0x0;
	s5 =	sld [smem:$0x3FA6]  }
0x2b: {  	s6 =	sld [smem:$0x3FA7]  }
0x2c: {  	s7 =	sld [smem:$0x3FA8]  }
0x2d: {  	s3 =	simm.s32 $0x108;
	s8 =	sld [smem:$0x3FA9]  }
0x2e: {  	s3 =	simm.s32 @!p0 $0x1082;
	s9 =	sld [smem:$0x3FAA]  }
0x2f: {  	lr =	sadd.s32 s0, s3;
	s0 =	sld [smem:$0x3FA1]  }
0x30: {  	s3 =	sld [smem:$0x3FA4]  }
0x31: {  	[smem:$0x3FAD] =	sst s10  }
0x32: {  	s10 =	sld [smem:$0x3FAB];
	_ =	sdelay $0x3  }
0x33: {  	p0 =	seq.s32 s10, $0x1;
	s10 =	sld [smem:$0x3FAD];
	_ =	sdelay $0x3  }
0x34: {  	[smem:$0x3FAD] =	sst s10  }
0x35: {  	s10 =	sld [smem:$0x3FAC];
	_ =	sdelay $0x3  }
0x36: {  	p1 =	seq.s32 s10, $0x1;
	s10 =	sld [smem:$0x3FAD];
	_ =	sdelay $0x3  }
0x37: {  	[smem:$0x3FAD] =	sst s10  }
0x38: {  	s10 =	sld [smem:$0x3FAE]  }
0x39: {  	_ = 	snop;
	(pc) =	sbr.ind lr, $3  }
0x3a: {  	_ = 	snop  }
0x3b: {  	_ = 	snop  }
0x3c: {  	p2 =	seq.s32 s10, $0x1;
	s10 =	sld [smem:$0x3FAD]  }
0x3d: {  	_ =	shalt  }
0x3e: {  	_ =	shalt  }
0x3f: {  	_ =	shalt  }
0x40: {  	_ =	shalt  }
0x41: {  	_ =	shalt  }
0x42: {  	_ =	shalt  }
0x43: {  	_ =	shalt  }
0x44: {  	_ =	shalt  }
0x45: {  	_ =	shalt  }
0x46: {  	_ =	shalt  }
0x47: {  	_ =	shalt  }
0x48: {  	_ =	shalt  }
0x49: {  	_ =	shalt  }
0x4a: {  	_ =	shalt  }
0x4b: {  	_ =	shalt  }
0x4c: {  	_ =	shalt  }
0x4d: {  	_ =	shalt  }
0x4e: {  	_ =	shalt  }
0x4f: {  	_ =	shalt  }
0x50: {  	_ =	shalt  }
0x51: {  	_ =	shalt  }
0x52: {  	_ =	shalt  }
0x53: {  	_ =	shalt  }
0x54: {  	_ =	shalt  }
0x55: {  	_ =	shalt  }
0x56: {  	_ =	shalt  }
0x57: {  	_ =	shalt  }
0x58: {  	_ =	shalt  }
0x59: {  	_ =	shalt  }
0x5a: {  	_ =	shalt  }
0x5b: {  	_ =	shalt  }
0x5c: {  	_ =	shalt  }
0x5d: {  	_ =	shalt  }
0x5e: {  	_ =	shalt  }
0x5f: {  	_ =	shalt  }
0x60: {  	_ =	shalt  }
0x61: {  	_ =	shalt  }
0x62: {  	_ =	shalt  }
0x63: {  	_ =	shalt  }
0x64: {  	_ =	shalt  }
0x65: {  	_ =	shalt  }
0x66: {  	_ =	shalt  }
0x67: {  	_ =	shalt  }
0x68: {  	_ =	shalt  }
0x69: {  	_ =	shalt  }
0x6a: {  	_ =	shalt  }
0x6b: {  	_ =	shalt  }
0x6c: {  	_ =	shalt  }
0x6d: {  	_ =	shalt  }
0x6e: {  	_ =	shalt  }
0x6f: {  	_ =	shalt  }
0x70: {  	_ =	shalt  }
0x71: {  	_ =	shalt  }
0x72: {  	_ =	shalt  }
0x73: {  	_ =	shalt  }
0x74: {  	_ =	shalt  }
0x75: {  	_ =	shalt  }
0x76: {  	_ =	shalt  }
0x77: {  	_ =	shalt  }
0x78: {  	_ =	shalt  }
0x79: {  	_ =	shalt  }
0x7a: {  	_ =	shalt  }
0x7b: {  	_ =	shalt  }
0x7c: {  	_ =	shalt  }
0x7d: {  	_ =	shalt  }
0x7e: {  	_ =	shalt  }
0x7f: {  	_ =	shalt  }
0x80: {  	_ =	shalt  }
0x81: {  	_ =	shalt  }
0x82: {  	_ =	shalt  }
0x83: {  	_ =	shalt  }
0x84: {  	_ =	shalt  }
0x85: {  	_ =	shalt  }
0x86: {  	_ =	shalt  }
0x87: {  	_ =	shalt  }
.Lfunc_end0:
.L_simem_size_0:
called_computation_lowered:
.L_overlay_start_0:
0x88: {  	s2 =	sld [smem:$0x3FD9]  }
0x89: {  	s3 =	sld [smem:$0x3FFE];
	_ =	sdelay $0x1  }
0x8a: {  	s1 =	srdreg.scid  }
0x8b: {  	s0 =	sand.u32 $0x1, s1  }
0x8c: {  	s17 =	sshll.u32 s0, $0xA;
	s2 =	sadd.s32 s3, s2  }
0x8d: {  	s2 =	sadd.s32 s2, s17  }
0x8e: {  	[smem:$0x3FB9] =	sst s2  }
0x8f: {  	_ = 	snop  }
0x90: {  	s2 =	sld [smem:$0x3FD0];
	(tm) =	ssettm $0x1  }
0x91: {  	s18 =	sld [smem:$0x3FFB];
	_ =	sdelay $0x3  }
0x92: {  	_ =	strace s18  }
0x93: {  	s3 =	sld [smem:$0x3FFC];
	_ =	sdelay $0x3  }
0x94: {  	_ =	strace s3  }
0x95: {  	s3 =	sld [smem:$0x3FFD];
	_ =	sdelay $0x3  }
0x96: {  	_ =	strace s3  }
0x97: {  	_ =	strace $0x8FFFFFFF  }
0x98: {  	s19 =	sld [smem:$0x3FDB];
	_ =	sdelay $0x1  }
0x99: {  	s4 =	simm.s32 $_scs_section_size  }
0x9a: {  	s5 =	simm.s32 $_size__tile_overlayer_lowered;
	s6 =	simm.s32 $_tile_overlayer_lowered  }
0x9b: {  	s22 =	simm.s32 $0x1BFF;
	s21 =	sshll.u32 s6, $0x1;
	s3 =	sadd.s32 s4, s19  }
0x9c: {  	s7 =	simm.s32 $0x0;
	s20 =	sshll.u32 s5, $0x1;
	s5 =	sadd.s32 s21, s3  }
0x9d: {  	[timem:s7], [sflag:s22] =	dma.local [hbm:s5], s20  }
0x9e: {  	_ =	swait.ge [sflag:s22], s20  }
0x9f: {  	s4 =	ssub.s32 $0x0, s20;
	[sflag:s22] =	ssyncset.done $0x0  }
0xa0: {  	[sflag:s22] =	ssyncadd.s32 s4;
	_ =	sdelay $0x1  }
0xa1: {  	s23 =	simm.s32 $0x1B8B  }
0xa2: {  	_ =	swait.ge [sflag:s23], $0x1  }
0xa3: {  	[sflag:s23] =	ssyncset.done $0x0  }
0xa4: {  	s25 =	simm.s32 $0x1B8E;
	s24 =	sld [smem:$0x3FFE];
	[sflag:s23] =	ssyncadd.s32 $0xFFFFFFFF  }
0xa5: {  	s26 =	simm.s32 $execute0_lowered;
	[smem:$0x3FD2] =	sst s25  }
0xa6: {  	s5 =	sshll.u32 s26, $0x1;
	_ =	strace $0x80000046;
	[dreg:$0x1] =	wrdreg $0xFFFFFFFF  }
0xa7: {  	s28 =	simm.s32 $_size_execute0_lowered;
	s3 =	sadd.s32 s3, s5;
	[dreg:$0x0] =	wrdreg $0x0  }
0xa8: {  	s5 =	sshll.u32 s28, $0x1;
	[dreg:$0x2] =	wrdreg s3  }
0xa9: {  	[dreg:$0x3] =	wrdreg s5  }
0xaa: {  	[dreg:$0x4] =	wrdreg $0xC0  }
0xab: {  	_ =	task [dreg:s7], $0x5FFFF  }
0xac: {  	[dreg:$0x1] =	wrdreg $0xFFFFFFFF  }
0xad: {  	[dreg:$0x0] =	wrdreg $0x60  }
0xae: {  	[dreg:$0x2] =	wrdreg s24  }
0xaf: {  	[dreg:$0x3] =	wrdreg s2  }
0xb0: {  	[dreg:$0x4] =	wrdreg $0x9  }
0xb1: {  	_ =	task.clear_ibuf [dreg:s7], $0x5FFFF;
	_ =	strace $0x90000046  }
0xb2: {  	s29 =	simm.s32 $0x9;
	_ =	strace $0x80000048  }
0xb3: {  	_ =	swait.ge [sflag:s29], $0x1  }
0xb4: {  	[sflag:s29] =	ssyncadd.s32 $0xFFFFFFFF  }
0xb5: {  	_ =	strace $0x90000048  }
0xb6: {  	_ =	sfence  }
0xb7: {  	s30 =	sld [smem:$0x0];
	_ =	sdelay $0x2  }
0xb8: {  	s31 =	sshll.u32 s1, $0xD;
	s1 =	sshrl.u32 s1, $0x2  }
0xb9: {  	s3 =	sand.u32 $0x4000, s31;
	s1 =	sadd.s32 s1, s30  }
0xba: {  	s0 =	sor.u32 s3, s0;
	s1 =	sshll.u32 s1, $0x11  }
0xbb: {  	s0 =	sor.u32 s1, s0  }
0xbc: {  	s0 =	sadd.s32 $0x8F2B, s0  }
0xbd: {  	[sflag:s0] =	ssyncadd.remote.s32 $0x1  }
0xbe: {  	_ =	sfence.sel $0xFFFF  }
0xbf: {  	[dreg:$0x0] =	wrdreg $0xFFFFFFFF;
	(pc) =	sbr.abs _section_cstart, $3  }
0xc0: {  	[dreg:$0x1] =	wrdreg $0xFFFFFFFF  }
0xc1: {  	_ =	task.clear_ibuf [dreg:s7], $0x2FFFF;
	_ =	strace $0x9FFFFFFF  }
0xc2: {  	(tm) =	ssettm $0x7FFFFFFF  }
0xc3: {  	_ =	shalt  }
tec
execute0_lowered:
.L_overlay_start_1:
0x0: {  	(tag) =	ssettag $0x1  }
0x1: {  	s0 =	rddreg [dreg:$0x0];
	s1 =	srdreg.scid;
	s2 =	simm.s32 $0x0  }
0x2: {  	s7 =	stileid.u32;
	s10 =	simm.s32 $0x3;
	s11 =	simm.s32 $0x80  }
0x3: {  	s28 =	simm.s32 $0x8080;
	s29 =	simm.s32 $0x8880;
	s30 =	simm.s32 $0x9080  }
0x4: {  	s31 =	simm.s32 $0x9880;
	s9 =	simm.s32 $0xB080;
	s12 =	simm.s32 $0xC080  }
0x5: {  	s13 =	simm.s32 $0xC880;
	s14 =	simm.s32 $0xD080;
	s15 =	simm.s32 $0xD880  }
0x6: {  	s16 =	simm.s32 $0xE080;
	s17 =	simm.s32 $0xE880;
	s18 =	simm.s32 $0xF080  }
0x7: {  	s19 =	simm.s32 $0xF880;
	s20 =	simm.s32 $0x1;
	s21 =	simm.s32 $0x2  }
0x8: {  	s22 =	simm.s32 $0x0;
	s3 =	sand.u32 $0x1, s1;
	[smem:$0x7FF] =	sst s2  }
.Ltmp0:
0x9: {  	s5 =	sadd.s32 $0x3600, s0;
	s1 =	ssub.s32 $0x2, s3;
	(pc) =	sbr.rel .LBB2_1-.Ltmp0, $4  }
0xa: {  	s6 =	sadd.s32 $0xD400, s0;
	s7 =	sshll.u32 s7, $0x1;
	s4 =	sshrl.u32 s1, $0x1  }
0xb: {  	v2 =	vlaneseq.u32;
	s8 =	sadd.s32 $0x3700, s0;
	s0 =	simm.s32 $0xA080;
	s1 =	ssub.s32 s1, s4  }
0xc: {  	vm0 =	vmmov $0xffff;
	v1 =	vshrl.u32 v2, $0x3;
	_ =	strace $0x80000047;
	s4 =	simm.s32 $0xA880;
	s26 =	smax.u32 s1, $0x1  }
0xd: {  	v0 =	vand.u32 $0x7, v2;
	v2 =	vor.u32 $0x8, v2;
	v1 =	vmul.u32 $0x8, v1;
	s1 =	simm.s32 $0xB880;
	[dreg:$0x3] =	wrdreg s26;
	s26 =	simm.s32 $0x7880  }
.LBB2_5:
0xe: {  	s22 =	sadd.s32 $0x1, s22;
	s23 =	rddreg [dreg:$0x3]  }
0xf: {  	p0 =	sne.s32 s22, s23  }
.Ltmp1:
0x10: {  	_ = 	snop;
	(pc) =	sbr.rel @!p0 .LBB2_6-.Ltmp1, $1  }
0x11: {  	_ =	sdelay $0x3  }
.LBB2_1:
.Ltmp2:
0x12: {  	(pc) =	sbr.rel .LBB2_2-.Ltmp2, $2  }
0x13: {  	_ =	sdelay $0x2  }
0x14: {  	p1 =	por $0x1, $0x1;
	s23 =	simm.s32 $0x0  }
.LBB2_4:
.Ltmp3:
0x15: {  	(pc) =	sbr.rel @!p0 .LBB2_5-.Ltmp3, $2  }
0x16: {  	_ =	sdelay $0x2  }
0x17: {  	s23 =	simm.s32 $0x20;
	p1 =	por $0x0, $0x0  }
.LBB2_2:
0x18: {  	s23 =	sor.u32 s7, s23  }
0x19: {  	p2 =	sgt.u32 s23, $0x3B  }
.Ltmp4:
0x1a: {  	_ = 	snop;
	(pc) =	sbr.rel @p2 .LBB2_4-.Ltmp4, $2  }
0x1b: {  	_ =	sdelay $0x2  }
0x1c: {  	p0 =	por p1, p1  }
0x1d: {  	s23 =	sor.u32 s3, s23  }
0x1e: {  	s25 =	rddreg [dreg:$0x1];
	s24 =	sshll.u32 s23, $0x4  }
0x1f: {  	s24 =	sadd.s32 s25, s24  }
0x20: {  	[tilespmem:s2], [sflag:$0x3] =	stream.linear.gather [hbm4b:s24+s2], $0x80, $0x38;
	[tilespmem:$0x10080] =	vst v63  }
0x21: {  	_ =	swait.ge [sflag:s10], $0x80  }
0x22: {  	[sflag:s10] =	ssyncset.done $0x0  }
0x23: {  	[sflag:s10] =	ssyncadd.s32 $0xFFFFFF80  }
0x24: {  	v3 =	vld [tilespmem:$0x0];
	_ =	sdelay $0x4  }
0x25: {  	v4 =	vshll.u32 v3, $0x2  }
0x26: {  	v3 =	vand.u32 $0x7, v3;
	v4 =	vand.u32 $0xFFFFFFE0, v4  }
0x27: {  	v3 =	vor.u32 v3, v4  }
0x28: {  	v4 =	vperm.xlane v3, v0;
	_ =	sdelay $0x1  }
0x29: {  	v4 =	vadd.s32 v1, v4;
	_ =	sdelay $0x1  }
0x2a: {  	v3 =	vperm.xlane v3, v2;
	_ =	sdelay $0x1  }
0x2b: {  	v3 =	vadd.s32 v1, v3  }
0x2c: {  	[tilespmem:s11], [sflag:$0x1] =	stream.indirect_vreg.gather [hbm4b:s5+s2], $0x80, v4, vm0, $0xb8;
	[tilespmem:$0x10080] =	vst v63  }
0x2d: {  	s25 =	simm.s32 $0x880  }
0x2e: {  	[tilespmem:s25], [sflag:$0x1] =	stream.indirect_vreg.gather [hbm4b:s8+s2], $0x80, v4, vm0, $0xb8;
	[tilespmem:$0x10080] =	vst v63  }
0x2f: {  	s25 =	simm.s32 $0x1080  }
0x30: {  	[tilespmem:s25], [sflag:$0x1] =	stream.indirect_vreg.gather [hbm4b:s5+s2], $0x80, v3, vm0, $0xb8;
	[tilespmem:$0x10080] =	vst v63  }
0x31: {  	s25 =	simm.s32 $0x1880  }
0x32: {  	[tilespmem:s25], [sflag:$0x1] =	stream.indirect_vreg.gather [hbm4b:s8+s2], $0x80, v3, vm0, $0xb8;
	[tilespmem:$0x10080] =	vst v63  }
0x33: {  	v3 =	vld [tilespmem:$0x10];
	_ =	sdelay $0x4  }
0x34: {  	v57 =	vshll.u32 v3, $0x2  }
0x35: {  	v3 =	vand.u32 $0x7, v3;
	v4 =	vand.u32 $0xFFFFFFE0, v57  }
0x36: {  	v3 =	vor.u32 v3, v4  }
0x37: {  	v4 =	vperm.xlane v3, v0;
	_ =	sdelay $0x1  }
0x38: {  	v4 =	vadd.s32 v1, v4;
	_ =	sdelay $0x1  }
0x39: {  	v3 =	vperm.xlane v3, v2;
	_ =	sdelay $0x1  }
0x3a: {  	s25 =	simm.s32 $0x2080;
	v3 =	vadd.s32 v1, v3  }
0x3b: {  	[tilespmem:s25], [sflag:$0x1] =	stream.indirect_vreg.gather [hbm4b:s5+s2], $0x80, v4, vm0, $0xb8;
	[tilespmem:$0x10080] =	vst v63  }
0x3c: {  	s25 =	simm.s32 $0x2880  }
0x3d: {  	[tilespmem:s25], [sflag:$0x1] =	stream.indirect_vreg.gather [hbm4b:s8+s2], $0x80, v4, vm0, $0xb8;
	[tilespmem:$0x10080] =	vst v63  }
0x3e: {  	s25 =	simm.s32 $0x3080  }
0x3f: {  	[tilespmem:s25], [sflag:$0x1] =	stream.indirect_vreg.gather [hbm4b:s5+s2], $0x80, v3, vm0, $0xb8;
	[tilespmem:$0x10080] =	vst v63  }
0x40: {  	s25 =	simm.s32 $0x3880  }
0x41: {  	[tilespmem:s25], [sflag:$0x1] =	stream.indirect_vreg.gather [hbm4b:s8+s2], $0x80, v3, vm0, $0xb8;
	[tilespmem:$0x10080] =	vst v63  }
0x42: {  	v3 =	vld [tilespmem:$0x20];
	_ =	sdelay $0x4  }
0x43: {  	v58 =	vshll.u32 v3, $0x2  }
0x44: {  	v3 =	vand.u32 $0x7, v3;
	v4 =	vand.u32 $0xFFFFFFE0, v58  }
0x45: {  	v3 =	vor.u32 v3, v4  }
0x46: {  	v4 =	vperm.xlane v3, v0;
	_ =	sdelay $0x1  }
0x47: {  	v4 =	vadd.s32 v1, v4;
	_ =	sdelay $0x1  }
0x48: {  	v3 =	vperm.xlane v3, v2;
	_ =	sdelay $0x1  }
0x49: {  	s25 =	simm.s32 $0x4080;
	v3 =	vadd.s32 v1, v3  }
0x4a: {  	[tilespmem:s25], [sflag:$0x1] =	stream.indirect_vreg.gather [hbm4b:s5+s2], $0x80, v4, vm0, $0xb8;
	[tilespmem:$0x10080] =	vst v63  }
0x4b: {  	s25 =	simm.s32 $0x4880  }
0x4c: {  	[tilespmem:s25], [sflag:$0x1] =	stream.indirect_vreg.gather [hbm4b:s8+s2], $0x80, v4, vm0, $0xb8;
	[tilespmem:$0x10080] =	vst v63  }
0x4d: {  	s25 =	simm.s32 $0x5080  }
0x4e: {  	[tilespmem:s25], [sflag:$0x1] =	stream.indirect_vreg.gather [hbm4b:s5+s2], $0x80, v3, vm0, $0xb8;
	[tilespmem:$0x10080] =	vst v63  }
0x4f: {  	s25 =	simm.s32 $0x5880  }
0x50: {  	[tilespmem:s25], [sflag:$0x1] =	stream.indirect_vreg.gather [hbm4b:s8+s2], $0x80, v3, vm0, $0xb8;
	[tilespmem:$0x10080] =	vst v63  }
0x51: {  	v3 =	vld [tilespmem:$0x30];
	_ =	sdelay $0x4  }
0x52: {  	v59 =	vshll.u32 v3, $0x2  }
0x53: {  	v3 =	vand.u32 $0x7, v3;
	v4 =	vand.u32 $0xFFFFFFE0, v59  }
0x54: {  	v3 =	vor.u32 v3, v4  }
0x55: {  	v4 =	vperm.xlane v3, v0;
	_ =	sdelay $0x1  }
0x56: {  	v4 =	vadd.s32 v1, v4;
	_ =	sdelay $0x1  }
0x57: {  	v3 =	vperm.xlane v3, v2;
	_ =	sdelay $0x1  }
0x58: {  	s25 =	simm.s32 $0x6080;
	v3 =	vadd.s32 v1, v3  }
0x59: {  	[tilespmem:s25], [sflag:$0x1] =	stream.indirect_vreg.gather [hbm4b:s5+s2], $0x80, v4, vm0, $0xb8;
	[tilespmem:$0x10080] =	vst v63  }
0x5a: {  	s25 =	simm.s32 $0x6880  }
0x5b: {  	[tilespmem:s25], [sflag:$0x1] =	stream.indirect_vreg.gather [hbm4b:s8+s2], $0x80, v4, vm0, $0xb8;
	[tilespmem:$0x10080] =	vst v63  }
0x5c: {  	s25 =	simm.s32 $0x7080  }
0x5d: {  	[tilespmem:s25], [sflag:$0x1] =	stream.indirect_vreg.gather [hbm4b:s5+s2], $0x80, v3, vm0, $0xb8;
	[tilespmem:$0x10080] =	vst v63  }
0x5e: {  	_ = 	snop  }
0x5f: {  	[tilespmem:s26], [sflag:$0x1] =	stream.indirect_vreg.gather [hbm4b:s8+s2], $0x80, v3, vm0, $0xb8;
	[tilespmem:$0x10080] =	vst v63  }
0x60: {  	v3 =	vld [tilespmem:$0x40];
	_ =	sdelay $0x4  }
0x61: {  	v60 =	vshll.u32 v3, $0x2  }
0x62: {  	v3 =	vand.u32 $0x7, v3;
	v4 =	vand.u32 $0xFFFFFFE0, v60  }
0x63: {  	v3 =	vor.u32 v3, v4  }
0x64: {  	v4 =	vperm.xlane v3, v0;
	_ =	sdelay $0x1  }
0x65: {  	v4 =	vadd.s32 v1, v4;
	_ =	sdelay $0x1  }
0x66: {  	v3 =	vperm.xlane v3, v2;
	_ =	sdelay $0x1  }
0x67: {  	v3 =	vadd.s32 v1, v3  }
0x68: {  	[tilespmem:s28], [sflag:$0x1] =	stream.indirect_vreg.gather [hbm4b:s5+s2], $0x80, v4, vm0, $0xb8;
	[tilespmem:$0x10080] =	vst v63  }
0x69: {  	_ = 	snop  }
0x6a: {  	[tilespmem:s29], [sflag:$0x1] =	stream.indirect_vreg.gather [hbm4b:s8+s2], $0x80, v4, vm0, $0xb8;
	[tilespmem:$0x10080] =	vst v63  }
0x6b: {  	_ = 	snop  }
0x6c: {  	[tilespmem:s30], [sflag:$0x1] =	stream.indirect_vreg.gather [hbm4b:s5+s2], $0x80, v3, vm0, $0xb8;
	[tilespmem:$0x10080] =	vst v63  }
0x6d: {  	_ = 	snop  }
0x6e: {  	[tilespmem:s31], [sflag:$0x1] =	stream.indirect_vreg.gather [hbm4b:s8+s2], $0x80, v3, vm0, $0xb8;
	[tilespmem:$0x10080] =	vst v63  }
0x6f: {  	v3 =	vld [tilespmem:$0x50];
	_ =	sdelay $0x4  }
0x70: {  	v61 =	vshll.u32 v3, $0x2  }
0x71: {  	v3 =	vand.u32 $0x7, v3;
	v4 =	vand.u32 $0xFFFFFFE0, v61  }
0x72: {  	v3 =	vor.u32 v3, v4  }
0x73: {  	v4 =	vperm.xlane v3, v0;
	_ =	sdelay $0x1  }
0x74: {  	v4 =	vadd.s32 v1, v4;
	_ =	sdelay $0x1  }
0x75: {  	v3 =	vperm.xlane v3, v2;
	_ =	sdelay $0x1  }
0x76: {  	v3 =	vadd.s32 v1, v3  }
0x77: {  	[tilespmem:s0], [sflag:$0x1] =	stream.indirect_vreg.gather [hbm4b:s5+s2], $0x80, v4, vm0, $0xb8;
	[tilespmem:$0x10080] =	vst v63  }
0x78: {  	_ = 	snop  }
0x79: {  	[tilespmem:s4], [sflag:$0x1] =	stream.indirect_vreg.gather [hbm4b:s8+s2], $0x80, v4, vm0, $0xb8;
	[tilespmem:$0x10080] =	vst v63  }
0x7a: {  	_ = 	snop  }
0x7b: {  	[tilespmem:s9], [sflag:$0x1] =	stream.indirect_vreg.gather [hbm4b:s5+s2], $0x80, v3, vm0, $0xb8;
	[tilespmem:$0x10080] =	vst v63  }
0x7c: {  	_ = 	snop  }
0x7d: {  	[tilespmem:s1], [sflag:$0x1] =	stream.indirect_vreg.gather [hbm4b:s8+s2], $0x80, v3, vm0, $0xb8;
	[tilespmem:$0x10080] =	vst v63  }
0x7e: {  	v3 =	vld [tilespmem:$0x60];
	_ =	sdelay $0x4  }
0x7f: {  	v62 =	vshll.u32 v3, $0x2  }
0x80: {  	v3 =	vand.u32 $0x7, v3;
	v4 =	vand.u32 $0xFFFFFFE0, v62  }
0x81: {  	v3 =	vor.u32 v3, v4  }
0x82: {  	v4 =	vperm.xlane v3, v0;
	_ =	sdelay $0x1  }
0x83: {  	v4 =	vadd.s32 v1, v4;
	_ =	sdelay $0x1  }
0x84: {  	v3 =	vperm.xlane v3, v2;
	_ =	sdelay $0x1  }
0x85: {  	v3 =	vadd.s32 v1, v3  }
0x86: {  	[tilespmem:s12], [sflag:$0x1] =	stream.indirect_vreg.gather [hbm4b:s5+s2], $0x80, v4, vm0, $0xb8;
	[tilespmem:$0x10080] =	vst v63  }
0x87: {  	_ = 	snop  }
0x88: {  	[tilespmem:s13], [sflag:$0x1] =	stream.indirect_vreg.gather [hbm4b:s8+s2], $0x80, v4, vm0, $0xb8;
	[tilespmem:$0x10080] =	vst v63  }
0x89: {  	_ = 	snop  }
0x8a: {  	[tilespmem:s14], [sflag:$0x1] =	stream.indirect_vreg.gather [hbm4b:s5+s2], $0x80, v3, vm0, $0xb8;
	[tilespmem:$0x10080] =	vst v63  }
0x8b: {  	_ = 	snop  }
0x8c: {  	[tilespmem:s15], [sflag:$0x1] =	stream.indirect_vreg.gather [hbm4b:s8+s2], $0x80, v3, vm0, $0xb8;
	[tilespmem:$0x10080] =	vst v63  }
0x8d: {  	v3 =	vld [tilespmem:$0x70];
	_ =	sdelay $0x4  }
0x8e: {  	v63 =	vshll.u32 v3, $0x2  }
0x8f: {  	v3 =	vand.u32 $0x7, v3;
	v4 =	vand.u32 $0xFFFFFFE0, v63  }
0x90: {  	v3 =	vor.u32 v3, v4  }
0x91: {  	v4 =	vperm.xlane v3, v0;
	_ =	sdelay $0x1  }
0x92: {  	v4 =	vadd.s32 v1, v4;
	_ =	sdelay $0x1  }
0x93: {  	v3 =	vperm.xlane v3, v2;
	_ =	sdelay $0x1  }
0x94: {  	v3 =	vadd.s32 v1, v3  }
0x95: {  	[tilespmem:s16], [sflag:$0x1] =	stream.indirect_vreg.gather [hbm4b:s5+s2], $0x80, v4, vm0, $0xb8;
	[tilespmem:$0x10080] =	vst v63  }
0x96: {  	_ = 	snop  }
0x97: {  	[tilespmem:s17], [sflag:$0x1] =	stream.indirect_vreg.gather [hbm4b:s8+s2], $0x80, v4, vm0, $0xb8;
	[tilespmem:$0x10080] =	vst v63  }
0x98: {  	_ = 	snop  }
0x99: {  	[tilespmem:s18], [sflag:$0x1] =	stream.indirect_vreg.gather [hbm4b:s5+s2], $0x80, v3, vm0, $0xb8;
	[tilespmem:$0x10080] =	vst v63  }
0x9a: {  	_ = 	snop  }
0x9b: {  	[tilespmem:s19], [sflag:$0x1] =	stream.indirect_vreg.gather [hbm4b:s8+s2], $0x80, v3, vm0, $0xb8;
	[tilespmem:$0x10080] =	vst v63  }
0x9c: {  	_ =	swait.ge [sflag:s20], $0x10000  }
0x9d: {  	s23 =	sshll.u32 s23, $0xD;
	[sflag:s20] =	ssyncset.done $0x0  }
.Ltmp5:
0x9e: {  	s23 =	sadd.s32 s6, s23;
	[sflag:s20] =	ssyncadd.s32 $0xFFFF0000;
	(pc) =	sbr.rel .LBB2_4-.Ltmp5, $4  }
0x9f: {  	[hbm4b:s23+s2] =	stream.linear.scatter [tilespmem:s11], [sflag:$0x2], $0x10000, $0x38;
	[tilespmem:$0x10080] =	vst v63  }
0xa0: {  	_ =	swait.ge [sflag:s21], $0x10000  }
0xa1: {  	[sflag:s21] =	ssyncset.done $0x0  }
0xa2: {  	[sflag:s21] =	ssyncadd.s32 $0xFFFF0000  }
.LBB2_6:
0xa3: {  	_ =	sfence.sel $0x180000  }
0xa4: {  	[bflag:$0x0] =	sbarrier.arrive $0xFFFF  }
0xa5: {  	_ =	strace $0x90000047  }
0xa6: {  	s0 =	stileid.u32;
	[bflag:$0x2] =	sbarrier.arrive $0xFFFF  }
0xa7: {  	p0 =	sne.s32 s0, $0x0;
	s0 =	rddreg [dreg:$0x2]  }
0xa8: {  	s0 =	sadd.s32 @!p0 $0x100000, s0  }
0xa9: {  	[sflag:s0] =	ssyncadd.tile.s32 @!p0 $0x1;
	_ =	shalt  }
.Lfunc_end2:
_tile_overlayer_lowered:
.L_overlay_start_2:
0xaa: {  	(tag) =	ssettag $0x2  }
0xab: {  	s0 =	rddreg [dreg:$0x0];
	s2 =	stileid.u32  }
0xac: {  	s1 =	rddreg [dreg:$0x1];
	p0 =	sne.s32 s2, $0x0  }
0xad: {  	s3 =	rddreg [dreg:$0x2];
	[bflag:$0x3] =	sbarrier.arrive $0xFFFF;
	s2 =	simm.s32 @!p0 $0x1C02  }
0xae: {  	[timem:s3], [sflag:s2] =	dma.local @!p0 [hbm:s0], s1  }
0xaf: {  	s0 =	simm.s32 @!p0 $0x2  }
0xb0: {  	_ =	swait.ge @!p0 [sflag:s0], s1  }
0xb1: {  	s1 =	ssub.s32 @!p0 $0x0, s1;
	[sflag:s0] =	ssyncset.done @!p0 $0x0  }
0xb2: {  	[sflag:s0] =	ssyncadd.s32 @!p0 s1  }
0xb3: {  	[bflag:$0x3] =	sbarrier.arrive $0xFFFF  }
0xb4: {  	_ =	shalt  }

// kernel: kernel.15.cloned.1.call-start
scs
__scs_entry_jumppad:
0x0: {  	(pc) =	sbr.rel $0x88, $3  }
0x1: {  	(tag) =	ssettag $0x0;
	lr =	simm.s32 $0x1  }
0x2: {  	[smem:$0x3F92] =	sst lr;
	_ =	strace $0xD0000000  }
0x3: {  	_ = 	snop  }
0x4: {  	_ = 	snop  }
0x5: {  	_ = 	snop  }
0x6: {  	_ = 	snop  }
0x7: {  	_ = 	snop  }
__scs_overlays_trampoline_lowered:
0x8: {  	[smem:$0x3FA1] =	sst s0  }
0x9: {  	[smem:$0x3FA2] =	sst s1  }
0xa: {  	[smem:$0x3FA3] =	sst s2  }
0xb: {  	[smem:$0x3FA4] =	sst s3  }
0xc: {  	[smem:$0x3FA5] =	sst s4  }
0xd: {  	[smem:$0x3FA6] =	sst s5  }
0xe: {  	[smem:$0x3FA7] =	sst s6  }
0xf: {  	[smem:$0x3FA8] =	sst s7  }
0x10: {  	[smem:$0x3FA9] =	sst s8  }
0x11: {  	[smem:$0x3FAA] =	sst s9;
	s0 =	simm.s32 @!p0 $0x0  }
0x12: {  	s1 =	sld [smem:$0x3F90];
	s0 =	simm.s32 @p0 $0x1  }
0x13: {  	[smem:$0x3FAB] =	sst s0;
	s0 =	simm.s32 @!p1 $0x0  }
0x14: {  	s2 =	sld [smem:$0x3F8F];
	s0 =	simm.s32 @p1 $0x1  }
0x15: {  	[smem:$0x3FAC] =	sst s0;
	s0 =	simm.s32 @!p2 $0x0  }
0x16: {  	s3 =	sld [smem:$0x3FDB];
	s0 =	simm.s32 @p2 $0x1  }
0x17: {  	s4 =	simm.s32 $0x1BF5;
	[smem:$0x3FAE] =	sst s0  }
0x18: {  	s0 =	sld [smem:$0x3F91];
	_ =	swait.ge [sflag:s4], $0x0  }
0x19: {  	s7 =	sld [smem:$0x3F92]  }
0x1a: {  	s8 =	sadd.s32 $0xFFFFE003, lr  }
0x1b: {  	s9 =	sadd.s32 $0xFFFFFEF7, lr;
	s5 =	simm.s32 $0xFFFFFFFF;
	p2 =	slt.u32 s8, $0xFFFFF086  }
0x1c: {  	p1 =	slt.u32 s9, $0xF7A;
	s5 =	simm.s32 @!p2 $0x0  }
0x1d: {  	s5 =	simm.s32 @p1 $0x1;
	p0 =	seq.s32 s7, s2  }
0x1e: {  	s7 =	smul.u32 @!p0 $0xF7A, s2;
	p2 =	seq.s32 @!p0 s5, $0x0  }
0x1f: {  	s9 =	smul.u32 $0xF7A, s1;
	s8 =	simm.s32 @!p0 $0x1BF5;
	p2 =	por !p2, p0  }
0x20: {  	[sflag:s8] =	ssyncset.s32 @!p0 $0xFFFFF086;
	s6 =	sadd.s32 @!p0 s3, s7;
	s7 =	simm.s32 @!p0 $0x108  }
0x21: {  	s3 =	sadd.s32 s3, s9;
	s6 =	sadd.s32 @!p0 $0x88, s6;
	s7 =	simm.s32 @p2 $0x1082  }
0x22: {  	[simem:s7], [sflag:s8] =	dma.local @!p0 [hbm:s6], $0xF7A  }
0x23: {  	s9 =	sor.u32 $0xD0000000, s2;
	s6 =	simm.s32 $0x108;
	_ =	swait.ge @!p0 [sflag:s8], $0x0  }
0x24: {  	s3 =	sadd.s32 $0x88, s3;
	s6 =	simm.s32 @!p1 $0x1082;
	[sflag:s4] =	ssyncset.s32 $0xFFFFF086  }
0x25: {  	[simem:s6], [sflag:s4] =	dma.local [hbm:s3], $0xF7A  }
0x26: {  	[smem:$0x3F92] =	sst s1;
	(tag) =	ssettag s2;
	_ =	strace s9  }
0x27: {  	s1 =	sld [smem:$0x3FA2]  }
0x28: {  	s2 =	sld [smem:$0x3FA3]  }
0x29: {  	s4 =	sld [smem:$0x3FA5]  }
0x2a: {  	p0 =	seq.s32 s5, $0x0;
	s5 =	sld [smem:$0x3FA6]  }
0x2b: {  	s6 =	sld [smem:$0x3FA7]  }
0x2c: {  	s7 =	sld [smem:$0x3FA8]  }
0x2d: {  	s3 =	simm.s32 $0x108;
	s8 =	sld [smem:$0x3FA9]  }
0x2e: {  	s3 =	simm.s32 @!p0 $0x1082;
	s9 =	sld [smem:$0x3FAA]  }
0x2f: {  	lr =	sadd.s32 s0, s3;
	s0 =	sld [smem:$0x3FA1]  }
0x30: {  	s3 =	sld [smem:$0x3FA4]  }
0x31: {  	[smem:$0x3FAD] =	sst s10  }
0x32: {  	s10 =	sld [smem:$0x3FAB];
	_ =	sdelay $0x3  }
0x33: {  	p0 =	seq.s32 s10, $0x1;
	s10 =	sld [smem:$0x3FAD];
	_ =	sdelay $0x3  }
0x34: {  	[smem:$0x3FAD] =	sst s10  }
0x35: {  	s10 =	sld [smem:$0x3FAC];
	_ =	sdelay $0x3  }
0x36: {  	p1 =	seq.s32 s10, $0x1;
	s10 =	sld [smem:$0x3FAD];
	_ =	sdelay $0x3  }
0x37: {  	[smem:$0x3FAD] =	sst s10  }
0x38: {  	s10 =	sld [smem:$0x3FAE]  }
0x39: {  	_ = 	snop;
	(pc) =	sbr.ind lr, $3  }
0x3a: {  	_ = 	snop  }
0x3b: {  	_ = 	snop  }
0x3c: {  	p2 =	seq.s32 s10, $0x1;
	s10 =	sld [smem:$0x3FAD]  }
0x3d: {  	_ =	shalt  }
0x3e: {  	_ =	shalt  }
0x3f: {  	_ =	shalt  }
0x40: {  	_ =	shalt  }
0x41: {  	_ =	shalt  }
0x42: {  	_ =	shalt  }
0x43: {  	_ =	shalt  }
0x44: {  	_ =	shalt  }
0x45: {  	_ =	shalt  }
0x46: {  	_ =	shalt  }
0x47: {  	_ =	shalt  }
0x48: {  	_ =	shalt  }
0x49: {  	_ =	shalt  }
0x4a: {  	_ =	shalt  }
0x4b: {  	_ =	shalt  }
0x4c: {  	_ =	shalt  }
0x4d: {  	_ =	shalt  }
0x4e: {  	_ =	shalt  }
0x4f: {  	_ =	shalt  }
0x50: {  	_ =	shalt  }
0x51: {  	_ =	shalt  }
0x52: {  	_ =	shalt  }
0x53: {  	_ =	shalt  }
0x54: {  	_ =	shalt  }
0x55: {  	_ =	shalt  }
0x56: {  	_ =	shalt  }
0x57: {  	_ =	shalt  }
0x58: {  	_ =	shalt  }
0x59: {  	_ =	shalt  }
0x5a: {  	_ =	shalt  }
0x5b: {  	_ =	shalt  }
0x5c: {  	_ =	shalt  }
0x5d: {  	_ =	shalt  }
0x5e: {  	_ =	shalt  }
0x5f: {  	_ =	shalt  }
0x60: {  	_ =	shalt  }
0x61: {  	_ =	shalt  }
0x62: {  	_ =	shalt  }
0x63: {  	_ =	shalt  }
0x64: {  	_ =	shalt  }
0x65: {  	_ =	shalt  }
0x66: {  	_ =	shalt  }
0x67: {  	_ =	shalt  }
0x68: {  	_ =	shalt  }
0x69: {  	_ =	shalt  }
0x6a: {  	_ =	shalt  }
0x6b: {  	_ =	shalt  }
0x6c: {  	_ =	shalt  }
0x6d: {  	_ =	shalt  }
0x6e: {  	_ =	shalt  }
0x6f: {  	_ =	shalt  }
0x70: {  	_ =	shalt  }
0x71: {  	_ =	shalt  }
0x72: {  	_ =	shalt  }
0x73: {  	_ =	shalt  }
0x74: {  	_ =	shalt  }
0x75: {  	_ =	shalt  }
0x76: {  	_ =	shalt  }
0x77: {  	_ =	shalt  }
0x78: {  	_ =	shalt  }
0x79: {  	_ =	shalt  }
0x7a: {  	_ =	shalt  }
0x7b: {  	_ =	shalt  }
0x7c: {  	_ =	shalt  }
0x7d: {  	_ =	shalt  }
0x7e: {  	_ =	shalt  }
0x7f: {  	_ =	shalt  }
0x80: {  	_ =	shalt  }
0x81: {  	_ =	shalt  }
0x82: {  	_ =	shalt  }
0x83: {  	_ =	shalt  }
0x84: {  	_ =	shalt  }
0x85: {  	_ =	shalt  }
0x86: {  	_ =	shalt  }
0x87: {  	_ =	shalt  }
.Lfunc_end0:
.L_simem_size_0:
called_computation.1_lowered:
.L_overlay_start_0:
0x88: {  	s2 =	sld [smem:$0x3FD9]  }
0x89: {  	s3 =	sld [smem:$0x3FFE];
	_ =	sdelay $0x1  }
0x8a: {  	s1 =	srdreg.scid  }
0x8b: {  	s0 =	sand.u32 $0x1, s1  }
0x8c: {  	s16 =	sshll.u32 s0, $0xA;
	s2 =	sadd.s32 s3, s2  }
0x8d: {  	s2 =	sadd.s32 s2, s16  }
0x8e: {  	[smem:$0x3FB9] =	sst s2  }
0x8f: {  	_ = 	snop  }
0x90: {  	(tm) =	ssettm $0x1  }
0x91: {  	s17 =	sld [smem:$0x3FFB];
	_ =	sdelay $0x3  }
0x92: {  	_ =	strace s17  }
0x93: {  	s2 =	sld [smem:$0x3FFC];
	_ =	sdelay $0x3  }
0x94: {  	_ =	strace s2  }
0x95: {  	s2 =	sld [smem:$0x3FFD];
	_ =	sdelay $0x3  }
0x96: {  	_ =	strace s2  }
0x97: {  	_ =	strace $0x8FFFFFFF  }
0x98: {  	s18 =	sld [smem:$0x3FDB];
	_ =	sdelay $0x1  }
0x99: {  	s19 =	simm.s32 $_scs_section_size  }
0x9a: {  	s4 =	simm.s32 $_size__tile_overlayer_lowered;
	s5 =	simm.s32 $_tile_overlayer_lowered  }
0x9b: {  	s22 =	simm.s32 $0x1BFF;
	s21 =	sshll.u32 s5, $0x1;
	s2 =	sadd.s32 s19, s18  }
0x9c: {  	s6 =	simm.s32 $0x0;
	s20 =	sshll.u32 s4, $0x1;
	s4 =	sadd.s32 s21, s2  }
0x9d: {  	[timem:s6], [sflag:s22] =	dma.local [hbm:s4], s20  }
0x9e: {  	_ =	swait.ge [sflag:s22], s20  }
0x9f: {  	s3 =	ssub.s32 $0x0, s20;
	[sflag:s22] =	ssyncset.done $0x0  }
0xa0: {  	[sflag:s22] =	ssyncadd.s32 s3;
	_ =	sdelay $0x1  }
0xa1: {  	s23 =	simm.s32 $0x1B8B  }
0xa2: {  	_ =	swait.ge [sflag:s23], $0x1  }
0xa3: {  	[sflag:s23] =	ssyncset.done $0x0  }
0xa4: {  	s25 =	simm.s32 $0x1B8E;
	s24 =	sld [smem:$0x3FFE];
	[sflag:s23] =	ssyncadd.s32 $0xFFFFFFFF  }
0xa5: {  	s26 =	simm.s32 $execute0_lowered;
	[smem:$0x3FD2] =	sst s25  }
0xa6: {  	s4 =	sshll.u32 s26, $0x1;
	_ =	strace $0x80000049;
	[dreg:$0x1] =	wrdreg $0xFFFFFFFF  }
0xa7: {  	s28 =	simm.s32 $_size_execute0_lowered;
	s2 =	sadd.s32 s2, s4;
	[dreg:$0x0] =	wrdreg $0x0  }
0xa8: {  	s4 =	sshll.u32 s28, $0x1;
	[dreg:$0x2] =	wrdreg s2  }
0xa9: {  	[dreg:$0x3] =	wrdreg s4  }
0xaa: {  	[dreg:$0x4] =	wrdreg $0xC0  }
0xab: {  	_ =	task [dreg:s6], $0x5FFFF  }
0xac: {  	[dreg:$0x1] =	wrdreg $0xFFFFFFFF  }
0xad: {  	[dreg:$0x0] =	wrdreg $0x60  }
0xae: {  	[dreg:$0x2] =	wrdreg s24  }
0xaf: {  	[dreg:$0x3] =	wrdreg $0x9  }
0xb0: {  	_ =	task.clear_ibuf [dreg:s6], $0x4FFFF;
	_ =	strace $0x90000049  }
0xb1: {  	s29 =	simm.s32 $0x9;
	_ =	strace $0x8000004B  }
0xb2: {  	_ =	swait.ge [sflag:s29], $0x1  }
0xb3: {  	[sflag:s29] =	ssyncadd.s32 $0xFFFFFFFF  }
0xb4: {  	_ =	strace $0x9000004B  }
0xb5: {  	_ =	sfence  }
0xb6: {  	s30 =	sld [smem:$0x0];
	_ =	sdelay $0x2  }
0xb7: {  	s31 =	sshll.u32 s1, $0xD;
	s1 =	sshrl.u32 s1, $0x2  }
0xb8: {  	s3 =	sand.u32 $0x4000, s31;
	s1 =	sadd.s32 s1, s30  }
0xb9: {  	s0 =	sor.u32 s3, s0;
	s1 =	sshll.u32 s1, $0x11  }
0xba: {  	s0 =	sor.u32 s1, s0  }
0xbb: {  	s0 =	sadd.s32 $0x8F2B, s0  }
0xbc: {  	[sflag:s0] =	ssyncadd.remote.s32 $0x1  }
0xbd: {  	_ =	sfence.sel $0xFFFF  }
0xbe: {  	[dreg:$0x0] =	wrdreg $0xFFFFFFFF;
	(pc) =	sbr.abs _section_cstart, $3  }
0xbf: {  	[dreg:$0x1] =	wrdreg $0xFFFFFFFF  }
0xc0: {  	_ =	task.clear_ibuf [dreg:s6], $0x2FFFF;
	_ =	strace $0x9FFFFFFF  }
0xc1: {  	(tm) =	ssettm $0x7FFFFFFF  }
tec
execute0_lowered:
.L_overlay_start_1:
0x0: {  	(tag) =	ssettag $0x1  }
0x1: {  	s0 =	rddreg [dreg:$0x0]  }
0x2: {  	s1 =	simm.s32 $0x0;
	s2 =	srdreg.scid;
	s8 =	stileid.u32  }
0x3: {  	s9 =	simm.s32 $0x100;
	s21 =	simm.s32 $0x6100;
	s22 =	simm.s32 $0x6900  }
0x4: {  	s28 =	simm.s32 $0x9100;
	s29 =	simm.s32 $0x9900;
	s30 =	simm.s32 $0xA100  }
0x5: {  	s31 =	simm.s32 $0xA900;
	s10 =	simm.s32 $0xD900;
	s11 =	simm.s32 $0xE100  }
0x6: {  	s12 =	simm.s32 $0xE900;
	s13 =	simm.s32 $0xF100;
	s14 =	simm.s32 $0xF900  }
0x7: {  	s15 =	simm.s32 $0x1;
	s16 =	simm.s32 $0x2;
	s18 =	simm.s32 $0x0  }
0x8: {  	[smem:$0x7FF] =	sst s1;
	s3 =	sadd.s32 $0x3600, s0;
	s2 =	sand.u32 $0x1, s2  }
0x9: {  	s4 =	sshll.u32 s8, $0x6;
	s5 =	sshll.u32 s8, $0xE;
	_ =	strace $0x8000004A  }
0xa: {  	s6 =	ssub.s32 $0x2, s2;
	s7 =	sadd.s32 s4, s0;
	s0 =	sadd.s32 s5, s0  }
0xb: {  	s25 =	sshll.u32 s2, $0xD;
	s2 =	sshll.u32 s2, $0x5;
	s4 =	sshll.u32 s8, $0x1  }
0xc: {  	s8 =	simm.s32 $0x3;
	s23 =	sshrl.u32 s6, $0x1;
	s0 =	sadd.s32 s25, s0  }
0xd: {  	s2 =	sadd.s32 s2, s7;
	s25 =	simm.s32 $0x8100;
	s7 =	simm.s32 $0xD100  }
.Ltmp0:
0xe: {  	s24 =	ssub.s32 s6, s23;
	s0 =	sadd.s32 $0x86A00, s0;
	(pc) =	sbr.rel .LBB2_1-.Ltmp0, $4  }
0xf: {  	s26 =	sadd.s32 $0x85600, s2;
	s23 =	simm.s32 $0x7100;
	s2 =	simm.s32 $0xB900  }
0x10: {  	v2 =	vlaneseq.u32;
	s6 =	simm.s32 $0xC900;
	s5 =	smax.u32 s24, $0x1;
	[dreg:$0x3] =	wrdreg s0  }
0x11: {  	vm0 =	vmmov $0xffff;
	v1 =	vshrl.u32 v2, $0x3;
	[dreg:$0x4] =	wrdreg s26;
	s24 =	simm.s32 $0x7900;
	s26 =	simm.s32 $0x8900  }
0x12: {  	v0 =	vand.u32 $0x7, v2;
	v2 =	vor.u32 $0x8, v2;
	v1 =	vmul.u32 $0x8, v1;
	s0 =	simm.s32 $0xB100;
	[dreg:$0x2] =	wrdreg s5;
	s5 =	simm.s32 $0xC100  }
.LBB2_5:
0x13: {  	s18 =	rddreg [dreg:$0x5]  }
0x14: {  	s17 =	rddreg [dreg:$0x2];
	s18 =	sadd.s32 $0x1, s18  }
0x15: {  	p0 =	sne.s32 s18, s17  }
.Ltmp1:
0x16: {  	_ = 	snop;
	(pc) =	sbr.rel @!p0 .LBB2_6-.Ltmp1, $1  }
0x17: {  	_ =	sdelay $0x3  }
.LBB2_1:
.Ltmp2:
0x18: {  	(pc) =	sbr.rel .LBB2_2-.Ltmp2, $4  }
0x19: {  	_ = 	snop  }
0x1a: {  	[dreg:$0x5] =	wrdreg s18  }
0x1b: {  	s17 =	rddreg [dreg:$0x4]  }
0x1c: {  	s18 =	rddreg [dreg:$0x3];
	s19 =	simm.s32 $0x0  }
.LBB2_4:
0x1d: {  	s19 =	sadd.s32 $0x20, s19  }
0x1e: {  	p0 =	sne.s32 s19, $0xA0  }
.Ltmp3:
0x1f: {  	_ = 	snop;
	(pc) =	sbr.rel @!p0 .LBB2_5-.Ltmp3, $2  }
0x20: {  	_ =	sdelay $0x2  }
0x21: {  	s18 =	sadd.s32 $0x40000, s18;
	s17 =	sadd.s32 $0x400, s17  }
.LBB2_2:
0x22: {  	s20 =	sadd.s32 s19, s4  }
0x23: {  	p0 =	sgt.u32 s20, $0x95  }
.Ltmp4:
0x24: {  	_ = 	snop;
	(pc) =	sbr.rel @p0 .LBB2_4-.Ltmp4, $1  }
0x25: {  	_ =	sdelay $0x3  }
0x26: {  	[tilespmem:s1], [sflag:$0x3] =	stream.linear.gather [hbm4b:s17+s1], $0x100, $0x38;
	[tilespmem:$0x10100] =	vst v63  }
0x27: {  	_ =	swait.ge [sflag:s8], $0x100  }
0x28: {  	[sflag:s8] =	ssyncset.done $0x0  }
0x29: {  	[sflag:s8] =	ssyncadd.s32 $0xFFFFFF00  }
0x2a: {  	v3 =	vld [tilespmem:$0x0];
	_ =	sdelay $0x4  }
0x2b: {  	v4 =	vshll.u32 v3, $0x1  }
0x2c: {  	v3 =	vand.u32 $0x7, v3;
	v4 =	vand.u32 $0xFFFFFFF0, v4  }
0x2d: {  	v3 =	vor.u32 v3, v4  }
0x2e: {  	v4 =	vperm.xlane v3, v0;
	_ =	sdelay $0x1  }
0x2f: {  	v3 =	vperm.xlane v3, v2;
	v4 =	vadd.s32 v1, v4;
	_ =	sdelay $0x1  }
0x30: {  	v3 =	vadd.s32 v1, v3;
	_ =	sdelay $0x2  }
0x31: {  	[tilespmem:s9], [sflag:$0x1] =	stream.indirect_vreg.gather [hbm4b:s3+s1], $0x80, v4, vm0, $0xb8;
	[tilespmem:$0x10100] =	vst v63  }
0x32: {  	s20 =	simm.s32 $0x900  }
0x33: {  	[tilespmem:s20], [sflag:$0x1] =	stream.indirect_vreg.gather [hbm4b:s3+s1], $0x80, v3, vm0, $0xb8;
	[tilespmem:$0x10100] =	vst v63  }
0x34: {  	v3 =	vld [tilespmem:$0x10];
	_ =	sdelay $0x4  }
0x35: {  	v49 =	vshll.u32 v3, $0x1  }
0x36: {  	v3 =	vand.u32 $0x7, v3;
	v4 =	vand.u32 $0xFFFFFFF0, v49  }
0x37: {  	v3 =	vor.u32 v3, v4  }
0x38: {  	v4 =	vperm.xlane v3, v0;
	_ =	sdelay $0x1  }
0x39: {  	v3 =	vperm.xlane v3, v2;
	v4 =	vadd.s32 v1, v4;
	_ =	sdelay $0x1  }
0x3a: {  	v3 =	vadd.s32 v1, v3;
	_ =	sdelay $0x1  }
0x3b: {  	s20 =	simm.s32 $0x1100  }
0x3c: {  	[tilespmem:s20], [sflag:$0x1] =	stream.indirect_vreg.gather [hbm4b:s3+s1], $0x80, v4, vm0, $0xb8;
	[tilespmem:$0x10100] =	vst v63  }
0x3d: {  	s20 =	simm.s32 $0x1900  }
0x3e: {  	[tilespmem:s20], [sflag:$0x1] =	stream.indirect_vreg.gather [hbm4b:s3+s1], $0x80, v3, vm0, $0xb8;
	[tilespmem:$0x10100] =	vst v63  }
0x3f: {  	v3 =	vld [tilespmem:$0x20];
	_ =	sdelay $0x4  }
0x40: {  	v50 =	vshll.u32 v3, $0x1  }
0x41: {  	v3 =	vand.u32 $0x7, v3;
	v4 =	vand.u32 $0xFFFFFFF0, v50  }
0x42: {  	v3 =	vor.u32 v3, v4  }
0x43: {  	v4 =	vperm.xlane v3, v0;
	_ =	sdelay $0x1  }
0x44: {  	v3 =	vperm.xlane v3, v2;
	v4 =	vadd.s32 v1, v4;
	_ =	sdelay $0x1  }
0x45: {  	v3 =	vadd.s32 v1, v3;
	_ =	sdelay $0x1  }
0x46: {  	s20 =	simm.s32 $0x2100  }
0x47: {  	[tilespmem:s20], [sflag:$0x1] =	stream.indirect_vreg.gather [hbm4b:s3+s1], $0x80, v4, vm0, $0xb8;
	[tilespmem:$0x10100] =	vst v63  }
0x48: {  	s20 =	simm.s32 $0x2900  }
0x49: {  	[tilespmem:s20], [sflag:$0x1] =	stream.indirect_vreg.gather [hbm4b:s3+s1], $0x80, v3, vm0, $0xb8;
	[tilespmem:$0x10100] =	vst v63  }
0x4a: {  	v3 =	vld [tilespmem:$0x30];
	_ =	sdelay $0x4  }
0x4b: {  	v51 =	vshll.u32 v3, $0x1  }
0x4c: {  	v3 =	vand.u32 $0x7, v3;
	v4 =	vand.u32 $0xFFFFFFF0, v51  }
0x4d: {  	v3 =	vor.u32 v3, v4  }
0x4e: {  	v4 =	vperm.xlane v3, v0;
	_ =	sdelay $0x1  }
0x4f: {  	v3 =	vperm.xlane v3, v2;
	v4 =	vadd.s32 v1, v4;
	_ =	sdelay $0x1  }
0x50: {  	v3 =	vadd.s32 v1, v3;
	_ =	sdelay $0x1  }
0x51: {  	s20 =	simm.s32 $0x3100  }
0x52: {  	[tilespmem:s20], [sflag:$0x1] =	stream.indirect_vreg.gather [hbm4b:s3+s1], $0x80, v4, vm0, $0xb8;
	[tilespmem:$0x10100] =	vst v63  }
0x53: {  	s20 =	simm.s32 $0x3900  }
0x54: {  	[tilespmem:s20], [sflag:$0x1] =	stream.indirect_vreg.gather [hbm4b:s3+s1], $0x80, v3, vm0, $0xb8;
	[tilespmem:$0x10100] =	vst v63  }
0x55: {  	v3 =	vld [tilespmem:$0x40];
	_ =	sdelay $0x4  }
0x56: {  	v52 =	vshll.u32 v3, $0x1  }
0x57: {  	v3 =	vand.u32 $0x7, v3;
	v4 =	vand.u32 $0xFFFFFFF0, v52  }
0x58: {  	v3 =	vor.u32 v3, v4  }
0x59: {  	v4 =	vperm.xlane v3, v0;
	_ =	sdelay $0x1  }
0x5a: {  	v3 =	vperm.xlane v3, v2;
	v4 =	vadd.s32 v1, v4;
	_ =	sdelay $0x1  }
0x5b: {  	v3 =	vadd.s32 v1, v3;
	_ =	sdelay $0x1  }
0x5c: {  	s20 =	simm.s32 $0x4100  }
0x5d: {  	[tilespmem:s20], [sflag:$0x1] =	stream.indirect_vreg.gather [hbm4b:s3+s1], $0x80, v4, vm0, $0xb8;
	[tilespmem:$0x10100] =	vst v63  }
0x5e: {  	s20 =	simm.s32 $0x4900  }
0x5f: {  	[tilespmem:s20], [sflag:$0x1] =	stream.indirect_vreg.gather [hbm4b:s3+s1], $0x80, v3, vm0, $0xb8;
	[tilespmem:$0x10100] =	vst v63  }
0x60: {  	v3 =	vld [tilespmem:$0x50];
	_ =	sdelay $0x4  }
0x61: {  	v53 =	vshll.u32 v3, $0x1  }
0x62: {  	v3 =	vand.u32 $0x7, v3;
	v4 =	vand.u32 $0xFFFFFFF0, v53  }
0x63: {  	v3 =	vor.u32 v3, v4  }
0x64: {  	v4 =	vperm.xlane v3, v0;
	_ =	sdelay $0x1  }
0x65: {  	v3 =	vperm.xlane v3, v2;
	v4 =	vadd.s32 v1, v4;
	_ =	sdelay $0x1  }
0x66: {  	v3 =	vadd.s32 v1, v3;
	_ =	sdelay $0x1  }
0x67: {  	s20 =	simm.s32 $0x5100  }
0x68: {  	[tilespmem:s20], [sflag:$0x1] =	stream.indirect_vreg.gather [hbm4b:s3+s1], $0x80, v4, vm0, $0xb8;
	[tilespmem:$0x10100] =	vst v63  }
0x69: {  	s20 =	simm.s32 $0x5900  }
0x6a: {  	[tilespmem:s20], [sflag:$0x1] =	stream.indirect_vreg.gather [hbm4b:s3+s1], $0x80, v3, vm0, $0xb8;
	[tilespmem:$0x10100] =	vst v63  }
0x6b: {  	v3 =	vld [tilespmem:$0x60];
	_ =	sdelay $0x4  }
0x6c: {  	v54 =	vshll.u32 v3, $0x1  }
0x6d: {  	v3 =	vand.u32 $0x7, v3;
	v4 =	vand.u32 $0xFFFFFFF0, v54  }
0x6e: {  	v3 =	vor.u32 v3, v4  }
0x6f: {  	v4 =	vperm.xlane v3, v0;
	_ =	sdelay $0x1  }
0x70: {  	v3 =	vperm.xlane v3, v2;
	v4 =	vadd.s32 v1, v4;
	_ =	sdelay $0x1  }
0x71: {  	v3 =	vadd.s32 v1, v3;
	_ =	sdelay $0x2  }
0x72: {  	[tilespmem:s21], [sflag:$0x1] =	stream.indirect_vreg.gather [hbm4b:s3+s1], $0x80, v4, vm0, $0xb8;
	[tilespmem:$0x10100] =	vst v63  }
0x73: {  	_ = 	snop  }
0x74: {  	[tilespmem:s22], [sflag:$0x1] =	stream.indirect_vreg.gather [hbm4b:s3+s1], $0x80, v3, vm0, $0xb8;
	[tilespmem:$0x10100] =	vst v63  }
0x75: {  	v3 =	vld [tilespmem:$0x70];
	_ =	sdelay $0x4  }
0x76: {  	v55 =	vshll.u32 v3, $0x1  }
0x77: {  	v3 =	vand.u32 $0x7, v3;
	v4 =	vand.u32 $0xFFFFFFF0, v55  }
0x78: {  	v3 =	vor.u32 v3, v4  }
0x79: {  	v4 =	vperm.xlane v3, v0;
	_ =	sdelay $0x1  }
0x7a: {  	v3 =	vperm.xlane v3, v2;
	v4 =	vadd.s32 v1, v4;
	_ =	sdelay $0x1  }
0x7b: {  	v3 =	vadd.s32 v1, v3;
	_ =	sdelay $0x2  }
0x7c: {  	[tilespmem:s23], [sflag:$0x1] =	stream.indirect_vreg.gather [hbm4b:s3+s1], $0x80, v4, vm0, $0xb8;
	[tilespmem:$0x10100] =	vst v63  }
0x7d: {  	_ = 	snop  }
0x7e: {  	[tilespmem:s24], [sflag:$0x1] =	stream.indirect_vreg.gather [hbm4b:s3+s1], $0x80, v3, vm0, $0xb8;
	[tilespmem:$0x10100] =	vst v63  }
0x7f: {  	v3 =	vld [tilespmem:$0x80];
	_ =	sdelay $0x4  }
0x80: {  	v56 =	vshll.u32 v3, $0x1  }
0x81: {  	v3 =	vand.u32 $0x7, v3;
	v4 =	vand.u32 $0xFFFFFFF0, v56  }
0x82: {  	v3 =	vor.u32 v3, v4  }
0x83: {  	v4 =	vperm.xlane v3, v0;
	_ =	sdelay $0x1  }
0x84: {  	v3 =	vperm.xlane v3, v2;
	v4 =	vadd.s32 v1, v4;
	_ =	sdelay $0x1  }
0x85: {  	v3 =	vadd.s32 v1, v3;
	_ =	sdelay $0x2  }
0x86: {  	[tilespmem:s25], [sflag:$0x1] =	stream.indirect_vreg.gather [hbm4b:s3+s1], $0x80, v4, vm0, $0xb8;
	[tilespmem:$0x10100] =	vst v63  }
0x87: {  	_ = 	snop  }
0x88: {  	[tilespmem:s26], [sflag:$0x1] =	stream.indirect_vreg.gather [hbm4b:s3+s1], $0x80, v3, vm0, $0xb8;
	[tilespmem:$0x10100] =	vst v63  }
0x89: {  	v3 =	vld [tilespmem:$0x90];
	_ =	sdelay $0x4  }
0x8a: {  	v57 =	vshll.u32 v3, $0x1  }
0x8b: {  	v3 =	vand.u32 $0x7, v3;
	v4 =	vand.u32 $0xFFFFFFF0, v57  }
0x8c: {  	v3 =	vor.u32 v3, v4  }
0x8d: {  	v4 =	vperm.xlane v3, v0;
	_ =	sdelay $0x1  }
0x8e: {  	v3 =	vperm.xlane v3, v2;
	v4 =	vadd.s32 v1, v4;
	_ =	sdelay $0x1  }
0x8f: {  	v3 =	vadd.s32 v1, v3;
	_ =	sdelay $0x2  }
0x90: {  	[tilespmem:s28], [sflag:$0x1] =	stream.indirect_vreg.gather [hbm4b:s3+s1], $0x80, v4, vm0, $0xb8;
	[tilespmem:$0x10100] =	vst v63  }
0x91: {  	_ = 	snop  }
0x92: {  	[tilespmem:s29], [sflag:$0x1] =	stream.indirect_vreg.gather [hbm4b:s3+s1], $0x80, v3, vm0, $0xb8;
	[tilespmem:$0x10100] =	vst v63  }
0x93: {  	v3 =	vld [tilespmem:$0xA0];
	_ =	sdelay $0x4  }
0x94: {  	v58 =	vshll.u32 v3, $0x1  }
0x95: {  	v3 =	vand.u32 $0x7, v3;
	v4 =	vand.u32 $0xFFFFFFF0, v58  }
0x96: {  	v3 =	vor.u32 v3, v4  }
0x97: {  	v4 =	vperm.xlane v3, v0;
	_ =	sdelay $0x1  }
0x98: {  	v3 =	vperm.xlane v3, v2;
	v4 =	vadd.s32 v1, v4;
	_ =	sdelay $0x1  }
0x99: {  	v3 =	vadd.s32 v1, v3;
	_ =	sdelay $0x2  }
0x9a: {  	[tilespmem:s30], [sflag:$0x1] =	stream.indirect_vreg.gather [hbm4b:s3+s1], $0x80, v4, vm0, $0xb8;
	[tilespmem:$0x10100] =	vst v63  }
0x9b: {  	_ = 	snop  }
0x9c: {  	[tilespmem:s31], [sflag:$0x1] =	stream.indirect_vreg.gather [hbm4b:s3+s1], $0x80, v3, vm0, $0xb8;
	[tilespmem:$0x10100] =	vst v63  }
0x9d: {  	v3 =	vld [tilespmem:$0xB0];
	_ =	sdelay $0x4  }
0x9e: {  	v59 =	vshll.u32 v3, $0x1  }
0x9f: {  	v3 =	vand.u32 $0x7, v3;
	v4 =	vand.u32 $0xFFFFFFF0, v59  }
0xa0: {  	v3 =	vor.u32 v3, v4  }
0xa1: {  	v4 =	vperm.xlane v3, v0;
	_ =	sdelay $0x1  }
0xa2: {  	v3 =	vperm.xlane v3, v2;
	v4 =	vadd.s32 v1, v4;
	_ =	sdelay $0x1  }
0xa3: {  	v3 =	vadd.s32 v1, v3;
	_ =	sdelay $0x2  }
0xa4: {  	[tilespmem:s0], [sflag:$0x1] =	stream.indirect_vreg.gather [hbm4b:s3+s1], $0x80, v4, vm0, $0xb8;
	[tilespmem:$0x10100] =	vst v63  }
0xa5: {  	_ = 	snop  }
0xa6: {  	[tilespmem:s2], [sflag:$0x1] =	stream.indirect_vreg.gather [hbm4b:s3+s1], $0x80, v3, vm0, $0xb8;
	[tilespmem:$0x10100] =	vst v63  }
0xa7: {  	v3 =	vld [tilespmem:$0xC0];
	_ =	sdelay $0x4  }
0xa8: {  	v60 =	vshll.u32 v3, $0x1  }
0xa9: {  	v3 =	vand.u32 $0x7, v3;
	v4 =	vand.u32 $0xFFFFFFF0, v60  }
0xaa: {  	v3 =	vor.u32 v3, v4  }
0xab: {  	v4 =	vperm.xlane v3, v0;
	_ =	sdelay $0x1  }
0xac: {  	v3 =	vperm.xlane v3, v2;
	v4 =	vadd.s32 v1, v4;
	_ =	sdelay $0x1  }
0xad: {  	v3 =	vadd.s32 v1, v3;
	_ =	sdelay $0x2  }
0xae: {  	[tilespmem:s5], [sflag:$0x1] =	stream.indirect_vreg.gather [hbm4b:s3+s1], $0x80, v4, vm0, $0xb8;
	[tilespmem:$0x10100] =	vst v63  }
0xaf: {  	_ = 	snop  }
0xb0: {  	[tilespmem:s6], [sflag:$0x1] =	stream.indirect_vreg.gather [hbm4b:s3+s1], $0x80, v3, vm0, $0xb8;
	[tilespmem:$0x10100] =	vst v63  }
0xb1: {  	v3 =	vld [tilespmem:$0xD0];
	_ =	sdelay $0x4  }
0xb2: {  	v61 =	vshll.u32 v3, $0x1  }
0xb3: {  	v3 =	vand.u32 $0x7, v3;
	v4 =	vand.u32 $0xFFFFFFF0, v61  }
0xb4: {  	v3 =	vor.u32 v3, v4  }
0xb5: {  	v4 =	vperm.xlane v3, v0;
	_ =	sdelay $0x1  }
0xb6: {  	v3 =	vperm.xlane v3, v2;
	v4 =	vadd.s32 v1, v4;
	_ =	sdelay $0x1  }
0xb7: {  	v3 =	vadd.s32 v1, v3;
	_ =	sdelay $0x2  }
0xb8: {  	[tilespmem:s7], [sflag:$0x1] =	stream.indirect_vreg.gather [hbm4b:s3+s1], $0x80, v4, vm0, $0xb8;
	[tilespmem:$0x10100] =	vst v63  }
0xb9: {  	_ = 	snop  }
0xba: {  	[tilespmem:s10], [sflag:$0x1] =	stream.indirect_vreg.gather [hbm4b:s3+s1], $0x80, v3, vm0, $0xb8;
	[tilespmem:$0x10100] =	vst v63  }
0xbb: {  	v3 =	vld [tilespmem:$0xE0];
	_ =	sdelay $0x4  }
0xbc: {  	v62 =	vshll.u32 v3, $0x1  }
0xbd: {  	v3 =	vand.u32 $0x7, v3;
	v4 =	vand.u32 $0xFFFFFFF0, v62  }
0xbe: {  	v3 =	vor.u32 v3, v4  }
0xbf: {  	v4 =	vperm.xlane v3, v0;
	_ =	sdelay $0x1  }
0xc0: {  	v3 =	vperm.xlane v3, v2;
	v4 =	vadd.s32 v1, v4;
	_ =	sdelay $0x1  }
0xc1: {  	v3 =	vadd.s32 v1, v3;
	_ =	sdelay $0x2  }
0xc2: {  	[tilespmem:s11], [sflag:$0x1] =	stream.indirect_vreg.gather [hbm4b:s3+s1], $0x80, v4, vm0, $0xb8;
	[tilespmem:$0x10100] =	vst v63  }
0xc3: {  	_ = 	snop  }
0xc4: {  	[tilespmem:s12], [sflag:$0x1] =	stream.indirect_vreg.gather [hbm4b:s3+s1], $0x80, v3, vm0, $0xb8;
	[tilespmem:$0x10100] =	vst v63  }
0xc5: {  	v3 =	vld [tilespmem:$0xF0];
	_ =	sdelay $0x4  }
0xc6: {  	v63 =	vshll.u32 v3, $0x1  }
0xc7: {  	v3 =	vand.u32 $0x7, v3;
	v4 =	vand.u32 $0xFFFFFFF0, v63  }
0xc8: {  	v3 =	vor.u32 v3, v4  }
0xc9: {  	v4 =	vperm.xlane v3, v0;
	_ =	sdelay $0x1  }
0xca: {  	v3 =	vperm.xlane v3, v2;
	v4 =	vadd.s32 v1, v4;
	_ =	sdelay $0x1  }
0xcb: {  	v3 =	vadd.s32 v1, v3;
	_ =	sdelay $0x2  }
0xcc: {  	[tilespmem:s13], [sflag:$0x1] =	stream.indirect_vreg.gather [hbm4b:s3+s1], $0x80, v4, vm0, $0xb8;
	[tilespmem:$0x10100] =	vst v63  }
0xcd: {  	_ = 	snop  }
0xce: {  	[tilespmem:s14], [sflag:$0x1] =	stream.indirect_vreg.gather [hbm4b:s3+s1], $0x80, v3, vm0, $0xb8;
	[tilespmem:$0x10100] =	vst v63  }
0xcf: {  	_ =	swait.ge [sflag:s15], $0x10000  }
0xd0: {  	[sflag:s15] =	ssyncset.done $0x0  }
.Ltmp5:
0xd1: {  	[sflag:s15] =	ssyncadd.s32 $0xFFFF0000;
	(pc) =	sbr.rel .LBB2_4-.Ltmp5, $4  }
0xd2: {  	[hbm4b:s18+s1] =	stream.linear.scatter [tilespmem:s9], [sflag:$0x2], $0x10000, $0x38;
	[tilespmem:$0x10100] =	vst v63  }
0xd3: {  	_ =	swait.ge [sflag:s16], $0x10000  }
0xd4: {  	[sflag:s16] =	ssyncset.done $0x0  }
0xd5: {  	[sflag:s16] =	ssyncadd.s32 $0xFFFF0000  }
.LBB2_6:
0xd6: {  	_ =	sfence.sel $0x180000  }
0xd7: {  	[bflag:$0x0] =	sbarrier.arrive $0xFFFF  }
0xd8: {  	_ =	strace $0x9000004A  }
0xd9: {  	s0 =	stileid.u32;
	[bflag:$0x2] =	sbarrier.arrive $0xFFFF  }
0xda: {  	p0 =	sne.s32 s0, $0x0;
	s0 =	rddreg [dreg:$0x1]  }
0xdb: {  	s0 =	sadd.s32 @!p0 $0x100000, s0  }
0xdc: {  	[sflag:s0] =	ssyncadd.tile.s32 @!p0 $0x1;
	_ =	shalt  }
.Lfunc_end2:
_tile_overlayer_lowered:
.L_overlay_start_2:
0xdd: {  	(tag) =	ssettag $0x2  }
0xde: {  	s0 =	rddreg [dreg:$0x0];
	s2 =	stileid.u32  }
0xdf: {  	s1 =	rddreg [dreg:$0x1];
	p0 =	sne.s32 s2, $0x0  }
0xe0: {  	s3 =	rddreg [dreg:$0x2];
	[bflag:$0x3] =	sbarrier.arrive $0xFFFF;
	s2 =	simm.s32 @!p0 $0x1C02  }
0xe1: {  	[timem:s3], [sflag:s2] =	dma.local @!p0 [hbm:s0], s1  }
0xe2: {  	s0 =	simm.s32 @!p0 $0x2  }
0xe3: {  	_ =	swait.ge @!p0 [sflag:s0], s1  }
0xe4: {  	s1 =	ssub.s32 @!p0 $0x0, s1;
	[sflag:s0] =	ssyncset.done @!p0 $0x0  }
0xe5: {  	[sflag:s0] =	ssyncadd.s32 @!p0 s1  }
0xe6: {  	[bflag:$0x3] =	sbarrier.arrive $0xFFFF  }
0xe7: {  	_ =	shalt  }

// kernel: kernel.18.cloned.1.call-start
scs
__scs_entry_jumppad:
0x0: {  	(pc) =	sbr.rel $0x88, $3  }
0x1: {  	(tag) =	ssettag $0x0;
	lr =	simm.s32 $0x1  }
0x2: {  	[smem:$0x3F92] =	sst lr;
	_ =	strace $0xD0000000  }
0x3: {  	_ = 	snop  }
0x4: {  	_ = 	snop  }
0x5: {  	_ = 	snop  }
0x6: {  	_ = 	snop  }
0x7: {  	_ = 	snop  }
__scs_overlays_trampoline_lowered:
0x8: {  	[smem:$0x3FA1] =	sst s0  }
0x9: {  	[smem:$0x3FA2] =	sst s1  }
0xa: {  	[smem:$0x3FA3] =	sst s2  }
0xb: {  	[smem:$0x3FA4] =	sst s3  }
0xc: {  	[smem:$0x3FA5] =	sst s4  }
0xd: {  	[smem:$0x3FA6] =	sst s5  }
0xe: {  	[smem:$0x3FA7] =	sst s6  }
0xf: {  	[smem:$0x3FA8] =	sst s7  }
0x10: {  	[smem:$0x3FA9] =	sst s8  }
0x11: {  	[smem:$0x3FAA] =	sst s9;
	s0 =	simm.s32 @!p0 $0x0  }
0x12: {  	s1 =	sld [smem:$0x3F90];
	s0 =	simm.s32 @p0 $0x1  }
0x13: {  	[smem:$0x3FAB] =	sst s0;
	s0 =	simm.s32 @!p1 $0x0  }
0x14: {  	s2 =	sld [smem:$0x3F8F];
	s0 =	simm.s32 @p1 $0x1  }
0x15: {  	[smem:$0x3FAC] =	sst s0;
	s0 =	simm.s32 @!p2 $0x0  }
0x16: {  	s3 =	sld [smem:$0x3FDB];
	s0 =	simm.s32 @p2 $0x1  }
0x17: {  	s4 =	simm.s32 $0x1BF5;
	[smem:$0x3FAE] =	sst s0  }
0x18: {  	s0 =	sld [smem:$0x3F91];
	_ =	swait.ge [sflag:s4], $0x0  }
0x19: {  	s7 =	sld [smem:$0x3F92]  }
0x1a: {  	s8 =	sadd.s32 $0xFFFFE003, lr  }
0x1b: {  	s9 =	sadd.s32 $0xFFFFFEF7, lr;
	s5 =	simm.s32 $0xFFFFFFFF;
	p2 =	slt.u32 s8, $0xFFFFF086  }
0x1c: {  	p1 =	slt.u32 s9, $0xF7A;
	s5 =	simm.s32 @!p2 $0x0  }
0x1d: {  	s5 =	simm.s32 @p1 $0x1;
	p0 =	seq.s32 s7, s2  }
0x1e: {  	s7 =	smul.u32 @!p0 $0xF7A, s2;
	p2 =	seq.s32 @!p0 s5, $0x0  }
0x1f: {  	s9 =	smul.u32 $0xF7A, s1;
	s8 =	simm.s32 @!p0 $0x1BF5;
	p2 =	por !p2, p0  }
0x20: {  	[sflag:s8] =	ssyncset.s32 @!p0 $0xFFFFF086;
	s6 =	sadd.s32 @!p0 s3, s7;
	s7 =	simm.s32 @!p0 $0x108  }
0x21: {  	s3 =	sadd.s32 s3, s9;
	s6 =	sadd.s32 @!p0 $0x88, s6;
	s7 =	simm.s32 @p2 $0x1082  }
0x22: {  	[simem:s7], [sflag:s8] =	dma.local @!p0 [hbm:s6], $0xF7A  }
0x23: {  	s9 =	sor.u32 $0xD0000000, s2;
	s6 =	simm.s32 $0x108;
	_ =	swait.ge @!p0 [sflag:s8], $0x0  }
0x24: {  	s3 =	sadd.s32 $0x88, s3;
	s6 =	simm.s32 @!p1 $0x1082;
	[sflag:s4] =	ssyncset.s32 $0xFFFFF086  }
0x25: {  	[simem:s6], [sflag:s4] =	dma.local [hbm:s3], $0xF7A  }
0x26: {  	[smem:$0x3F92] =	sst s1;
	(tag) =	ssettag s2;
	_ =	strace s9  }
0x27: {  	s1 =	sld [smem:$0x3FA2]  }
0x28: {  	s2 =	sld [smem:$0x3FA3]  }
0x29: {  	s4 =	sld [smem:$0x3FA5]  }
0x2a: {  	p0 =	seq.s32 s5, $0x0;
	s5 =	sld [smem:$0x3FA6]  }
0x2b: {  	s6 =	sld [smem:$0x3FA7]  }
0x2c: {  	s7 =	sld [smem:$0x3FA8]  }
0x2d: {  	s3 =	simm.s32 $0x108;
	s8 =	sld [smem:$0x3FA9]  }
0x2e: {  	s3 =	simm.s32 @!p0 $0x1082;
	s9 =	sld [smem:$0x3FAA]  }
0x2f: {  	lr =	sadd.s32 s0, s3;
	s0 =	sld [smem:$0x3FA1]  }
0x30: {  	s3 =	sld [smem:$0x3FA4]  }
0x31: {  	[smem:$0x3FAD] =	sst s10  }
0x32: {  	s10 =	sld [smem:$0x3FAB];
	_ =	sdelay $0x3  }
0x33: {  	p0 =	seq.s32 s10, $0x1;
	s10 =	sld [smem:$0x3FAD];
	_ =	sdelay $0x3  }
0x34: {  	[smem:$0x3FAD] =	sst s10  }
0x35: {  	s10 =	sld [smem:$0x3FAC];
	_ =	sdelay $0x3  }
0x36: {  	p1 =	seq.s32 s10, $0x1;
	s10 =	sld [smem:$0x3FAD];
	_ =	sdelay $0x3  }
0x37: {  	[smem:$0x3FAD] =	sst s10  }
0x38: {  	s10 =	sld [smem:$0x3FAE]  }
0x39: {  	_ = 	snop;
	(pc) =	sbr.ind lr, $3  }
0x3a: {  	_ = 	snop  }
0x3b: {  	_ = 	snop  }
0x3c: {  	p2 =	seq.s32 s10, $0x1;
	s10 =	sld [smem:$0x3FAD]  }
0x3d: {  	_ =	shalt  }
0x3e: {  	_ =	shalt  }
0x3f: {  	_ =	shalt  }
0x40: {  	_ =	shalt  }
0x41: {  	_ =	shalt  }
0x42: {  	_ =	shalt  }
0x43: {  	_ =	shalt  }
0x44: {  	_ =	shalt  }
0x45: {  	_ =	shalt  }
0x46: {  	_ =	shalt  }
0x47: {  	_ =	shalt  }
0x48: {  	_ =	shalt  }
0x49: {  	_ =	shalt  }
0x4a: {  	_ =	shalt  }
0x4b: {  	_ =	shalt  }
0x4c: {  	_ =	shalt  }
0x4d: {  	_ =	shalt  }
0x4e: {  	_ =	shalt  }
0x4f: {  	_ =	shalt  }
0x50: {  	_ =	shalt  }
0x51: {  	_ =	shalt  }
0x52: {  	_ =	shalt  }
0x53: {  	_ =	shalt  }
0x54: {  	_ =	shalt  }
0x55: {  	_ =	shalt  }
0x56: {  	_ =	shalt  }
0x57: {  	_ =	shalt  }
0x58: {  	_ =	shalt  }
0x59: {  	_ =	shalt  }
0x5a: {  	_ =	shalt  }
0x5b: {  	_ =	shalt  }
0x5c: {  	_ =	shalt  }
0x5d: {  	_ =	shalt  }
0x5e: {  	_ =	shalt  }
0x5f: {  	_ =	shalt  }
0x60: {  	_ =	shalt  }
0x61: {  	_ =	shalt  }
0x62: {  	_ =	shalt  }
0x63: {  	_ =	shalt  }
0x64: {  	_ =	shalt  }
0x65: {  	_ =	shalt  }
0x66: {  	_ =	shalt  }
0x67: {  	_ =	shalt  }
0x68: {  	_ =	shalt  }
0x69: {  	_ =	shalt  }
0x6a: {  	_ =	shalt  }
0x6b: {  	_ =	shalt  }
0x6c: {  	_ =	shalt  }
0x6d: {  	_ =	shalt  }
0x6e: {  	_ =	shalt  }
0x6f: {  	_ =	shalt  }
0x70: {  	_ =	shalt  }
0x71: {  	_ =	shalt  }
0x72: {  	_ =	shalt  }
0x73: {  	_ =	shalt  }
0x74: {  	_ =	shalt  }
0x75: {  	_ =	shalt  }
0x76: {  	_ =	shalt  }
0x77: {  	_ =	shalt  }
0x78: {  	_ =	shalt  }
0x79: {  	_ =	shalt  }
0x7a: {  	_ =	shalt  }
0x7b: {  	_ =	shalt  }
0x7c: {  	_ =	shalt  }
0x7d: {  	_ =	shalt  }
0x7e: {  	_ =	shalt  }
0x7f: {  	_ =	shalt  }
0x80: {  	_ =	shalt  }
0x81: {  	_ =	shalt  }
0x82: {  	_ =	shalt  }
0x83: {  	_ =	shalt  }
0x84: {  	_ =	shalt  }
0x85: {  	_ =	shalt  }
0x86: {  	_ =	shalt  }
0x87: {  	_ =	shalt  }
.Lfunc_end0:
.L_simem_size_0:
called_computation.2_lowered:
.L_overlay_start_0:
0x88: {  	s2 =	sld [smem:$0x3FD9]  }
0x89: {  	s3 =	sld [smem:$0x3FFE];
	_ =	sdelay $0x1  }
0x8a: {  	s1 =	srdreg.scid  }
0x8b: {  	s0 =	sand.u32 $0x1, s1  }
0x8c: {  	s17 =	sshll.u32 s0, $0xA;
	s2 =	sadd.s32 s3, s2  }
0x8d: {  	s2 =	sadd.s32 s2, s17  }
0x8e: {  	[smem:$0x3FB9] =	sst s2  }
0x8f: {  	_ = 	snop  }
0x90: {  	s2 =	sld [smem:$0x3FD0];
	(tm) =	ssettm $0x1  }
0x91: {  	s18 =	sld [smem:$0x3FFB];
	_ =	sdelay $0x3  }
0x92: {  	_ =	strace s18  }
0x93: {  	s3 =	sld [smem:$0x3FFC];
	_ =	sdelay $0x3  }
0x94: {  	_ =	strace s3  }
0x95: {  	s3 =	sld [smem:$0x3FFD];
	_ =	sdelay $0x3  }
0x96: {  	_ =	strace s3  }
0x97: {  	_ =	strace $0x8FFFFFFF  }
0x98: {  	s19 =	sld [smem:$0x3FDB];
	_ =	sdelay $0x1  }
0x99: {  	s4 =	simm.s32 $_scs_section_size  }
0x9a: {  	s5 =	simm.s32 $_size__tile_overlayer_lowered;
	s6 =	simm.s32 $_tile_overlayer_lowered  }
0x9b: {  	s22 =	simm.s32 $0x1BFF;
	s21 =	sshll.u32 s6, $0x1;
	s3 =	sadd.s32 s4, s19  }
0x9c: {  	s7 =	simm.s32 $0x0;
	s20 =	sshll.u32 s5, $0x1;
	s5 =	sadd.s32 s21, s3  }
0x9d: {  	[timem:s7], [sflag:s22] =	dma.local [hbm:s5], s20  }
0x9e: {  	_ =	swait.ge [sflag:s22], s20  }
0x9f: {  	s4 =	ssub.s32 $0x0, s20;
	[sflag:s22] =	ssyncset.done $0x0  }
0xa0: {  	[sflag:s22] =	ssyncadd.s32 s4;
	_ =	sdelay $0x1  }
0xa1: {  	s23 =	simm.s32 $0x1B8B  }
0xa2: {  	_ =	swait.ge [sflag:s23], $0x1  }
0xa3: {  	[sflag:s23] =	ssyncset.done $0x0  }
0xa4: {  	s25 =	simm.s32 $0x1B8E;
	s24 =	sld [smem:$0x3FFE];
	[sflag:s23] =	ssyncadd.s32 $0xFFFFFFFF  }
0xa5: {  	s26 =	simm.s32 $execute0_lowered;
	[smem:$0x3FD2] =	sst s25  }
0xa6: {  	s5 =	sshll.u32 s26, $0x1;
	_ =	strace $0x8000004C;
	[dreg:$0x1] =	wrdreg $0xFFFFFFFF  }
0xa7: {  	s28 =	simm.s32 $_size_execute0_lowered;
	s3 =	sadd.s32 s3, s5;
	[dreg:$0x0] =	wrdreg $0x0  }
0xa8: {  	s5 =	sshll.u32 s28, $0x1;
	[dreg:$0x2] =	wrdreg s3  }
0xa9: {  	[dreg:$0x3] =	wrdreg s5  }
0xaa: {  	[dreg:$0x4] =	wrdreg $0xC0  }
0xab: {  	_ =	task [dreg:s7], $0x5FFFF  }
0xac: {  	[dreg:$0x1] =	wrdreg $0xFFFFFFFF  }
0xad: {  	[dreg:$0x0] =	wrdreg $0x60  }
0xae: {  	[dreg:$0x2] =	wrdreg s24  }
0xaf: {  	[dreg:$0x3] =	wrdreg s2  }
0xb0: {  	[dreg:$0x4] =	wrdreg $0x9  }
0xb1: {  	_ =	task.clear_ibuf [dreg:s7], $0x5FFFF;
	_ =	strace $0x9000004C  }
0xb2: {  	s29 =	simm.s32 $0x9;
	_ =	strace $0x8000004E  }
0xb3: {  	_ =	swait.ge [sflag:s29], $0x1  }
0xb4: {  	[sflag:s29] =	ssyncadd.s32 $0xFFFFFFFF  }
0xb5: {  	_ =	strace $0x9000004E  }
0xb6: {  	_ =	sfence  }
0xb7: {  	s30 =	sld [smem:$0x0];
	_ =	sdelay $0x2  }
0xb8: {  	s31 =	sshll.u32 s1, $0xD;
	s1 =	sshrl.u32 s1, $0x2  }
0xb9: {  	s3 =	sand.u32 $0x4000, s31;
	s1 =	sadd.s32 s1, s30  }
0xba: {  	s0 =	sor.u32 s3, s0;
	s1 =	sshll.u32 s1, $0x11  }
0xbb: {  	s0 =	sor.u32 s1, s0  }
0xbc: {  	s0 =	sadd.s32 $0x8F2B, s0  }
0xbd: {  	[sflag:s0] =	ssyncadd.remote.s32 $0x1  }
0xbe: {  	_ =	sfence.sel $0xFFFF  }
0xbf: {  	[dreg:$0x0] =	wrdreg $0xFFFFFFFF;
	(pc) =	sbr.abs _section_cstart, $3  }
0xc0: {  	[dreg:$0x1] =	wrdreg $0xFFFFFFFF  }
0xc1: {  	_ =	task.clear_ibuf [dreg:s7], $0x2FFFF;
	_ =	strace $0x9FFFFFFF  }
0xc2: {  	(tm) =	ssettm $0x7FFFFFFF  }
0xc3: {  	_ =	shalt  }
tec
execute0_lowered:
.L_overlay_start_1:
0x0: {  	(tag) =	ssettag $0x1  }
0x1: {  	s4 =	rddreg [dreg:$0x0]  }
0x2: {  	s5 =	rddreg [dreg:$0x1]  }
0x3: {  	s0 =	rddreg [dreg:$0x2];
	s1 =	simm.s32 $0x0;
	s2 =	srdreg.scid  }
0x4: {  	[smem:$0x7FF] =	sst s1;
	s7 =	sand.u32 $0x1, s2  }
0x5: {  	s2 =	stileid.u32;
	s3 =	sadd.s32 $0x3600, s4;
	_ =	strace $0x8000004D  }
0x6: {  	s6 =	ssub.s32 $0x2, s7;
	s8 =	sshll.u32 s2, $0xE;
	s28 =	sshll.u32 s2, $0x7  }
0x7: {  	s29 =	sshll.u32 s2, $0x1;
	s30 =	sshll.u32 s7, $0xD;
	s31 =	sshll.u32 s7, $0x6  }
0x8: {  	s9 =	sshrl.u32 s6, $0x1;
	s8 =	sadd.s32 s8, s4;
	s5 =	sadd.s32 s28, s5  }
0x9: {  	s7 =	sor.u32 s7, s29;
	s26 =	ssub.s32 s6, s9;
	s6 =	sadd.s32 s30, s8  }
0xa: {  	s5 =	sadd.s32 s31, s5;
	s4 =	smax.u32 s26, $0x1;
	s6 =	sadd.s32 $0x85600, s6  }
.LBB2_1:
0xb: {  	s8 =	sadd.s32 $0x0, s7  }
0xc: {  	p0 =	sgt.u32 s8, $0x18A  }
0xd: {  	s8 =	simm.s32 @!p0 $0x0;
	s9 =	simm.s32 @!p0 $0x3  }
0xe: {  	[tilespmem:s8], [sflag:$0x3] =	stream.linear.gather @!p0 [hbm4b:s5+s8], $0x200, $0x38;
	[tilespmem:$0x10200] =	vst v63  }
0xf: {  	_ =	swait.ge @!p0 [sflag:s9], $0x200  }
0x10: {  	[sflag:s9] =	ssyncset.done @!p0 $0x0;
	p0 =	por p0, p0  }
0x11: {  	[sflag:s9] =	ssyncadd.s32 @!p0 $0xFFFFFE00;
	s10 =	simm.s32 @!p0 $0x200;
	s11 =	simm.s32 @!p0 $0x1  }
0x12: {  	[tilespmem:s10], [sflag:$0x1] =	stream.indirect.gather @!p0 [hbm4b:s3+s10], $0x80, s8, s10, $0xb8;
	[tilespmem:$0x10200] =	vst v63  }
0x13: {  	_ =	swait.ge @!p0 [sflag:s11], $0x10000  }
0x14: {  	[sflag:s11] =	ssyncset.done @!p0 $0x0  }
0x15: {  	s31 =	sadd.s32 $0x20, s7;
	[sflag:s11] =	ssyncadd.s32 @!p0 $0xFFFF0000;
	s11 =	simm.s32 @!p0 $0x2  }
0x16: {  	[hbm4b:s6+s8] =	stream.linear.scatter @!p0 [tilespmem:s10], [sflag:$0x2], $0x10000, $0x38;
	[tilespmem:$0x10200] =	vst v63  }
0x17: {  	p1 =	sgt.u32 s31, $0x18A;
	s9 =	simm.s32 $0x40;
	_ =	swait.ge @!p0 [sflag:s11], $0x10000  }
0x18: {  	s8 =	sadd.s32 $0x40000, s6;
	s10 =	sadd.s32 $0x800, s5;
	[sflag:s11] =	ssyncset.done @!p0 $0x0  }
.LBB2_2:
0x19: {  	s12 =	simm.s32 @!p1 $0x0;
	s13 =	simm.s32 @!p1 $0x3;
	[sflag:s11] =	ssyncadd.s32 @!p0 $0xFFFF0000  }
0x1a: {  	[tilespmem:s12], [sflag:$0x3] =	stream.linear.gather @!p1 [hbm4b:s10+s12], $0x200, $0x38;
	[tilespmem:$0x10200] =	vst v63  }
0x1b: {  	s14 =	smov.u32 s9;
	s9 =	sadd.s32 $0x20, s9;
	_ =	swait.ge @!p1 [sflag:s13], $0x200  }
0x1c: {  	p0 =	por p1, p1;
	p2 =	sne.s32 s9, $0x1A0;
	[sflag:s13] =	ssyncset.done @!p1 $0x0  }
0x1d: {  	s11 =	simm.s32 @!p0 $0x1;
	[sflag:s13] =	ssyncadd.s32 @!p0 $0xFFFFFE00;
	s13 =	simm.s32 @!p0 $0x200  }
0x1e: {  	[tilespmem:s13], [sflag:$0x1] =	stream.indirect.gather @!p0 [hbm4b:s3+s13], $0x80, s12, s13, $0xb8;
	[tilespmem:$0x10200] =	vst v63  }
0x1f: {  	_ =	swait.ge @!p0 [sflag:s11], $0x10000  }
.Ltmp0:
0x20: {  	[sflag:s11] =	ssyncset.done @!p0 $0x0;
	(pc) =	sbr.rel @p2 .LBB2_2-.Ltmp0, $4  }
0x21: {  	[sflag:s11] =	ssyncadd.s32 @!p0 $0xFFFF0000;
	s11 =	simm.s32 @!p0 $0x2  }
0x22: {  	[hbm4b:s8+s12] =	stream.linear.scatter @!p0 [tilespmem:s13], [sflag:$0x2], $0x10000, $0x38;
	[tilespmem:$0x10200] =	vst v63  }
0x23: {  	s12 =	sadd.s32 s14, s7;
	s8 =	sadd.s32 $0x40000, s8;
	_ =	swait.ge @!p0 [sflag:s11], $0x10000  }
0x24: {  	s10 =	sadd.s32 $0x800, s10;
	p1 =	sgt.u32 s12, $0x18A;
	[sflag:s11] =	ssyncset.done @!p0 $0x0  }
0x25: {  	s9 =	simm.s32 @!p1 $0x0;
	s12 =	simm.s32 @!p1 $0x3;
	[sflag:s11] =	ssyncadd.s32 @!p0 $0xFFFF0000  }
0x26: {  	[tilespmem:s9], [sflag:$0x3] =	stream.linear.gather @!p1 [hbm4b:s10+s9], $0x200, $0x38;
	[tilespmem:$0x10200] =	vst v63  }
0x27: {  	_ =	swait.ge @!p1 [sflag:s12], $0x200  }
0x28: {  	p0 =	por p1, p1;
	[sflag:s12] =	ssyncset.done @!p1 $0x0  }
0x29: {  	s10 =	simm.s32 @!p0 $0x200;
	s11 =	simm.s32 @!p0 $0x1;
	[sflag:s12] =	ssyncadd.s32 @!p0 $0xFFFFFE00  }
0x2a: {  	[tilespmem:s10], [sflag:$0x1] =	stream.indirect.gather @!p0 [hbm4b:s3+s10], $0x80, s9, s10, $0xb8;
	[tilespmem:$0x10200] =	vst v63  }
0x2b: {  	s1 =	sadd.s32 $0x1, s1;
	_ =	swait.ge @!p0 [sflag:s11], $0x10000  }
0x2c: {  	p1 =	sne.s32 s1, s4;
	[sflag:s11] =	ssyncset.done @!p0 $0x0  }
.Ltmp1:
0x2d: {  	[sflag:s11] =	ssyncadd.s32 @!p0 $0xFFFF0000;
	s11 =	simm.s32 @!p0 $0x2;
	(pc) =	sbr.rel @p1 .LBB2_1-.Ltmp1, $4  }
0x2e: {  	[hbm4b:s8+s9] =	stream.linear.scatter @!p0 [tilespmem:s10], [sflag:$0x2], $0x10000, $0x38;
	[tilespmem:$0x10200] =	vst v63  }
0x2f: {  	_ =	swait.ge @!p0 [sflag:s11], $0x10000  }
0x30: {  	[sflag:s11] =	ssyncset.done @!p0 $0x0  }
0x31: {  	[sflag:s11] =	ssyncadd.s32 @!p0 $0xFFFF0000  }
0x32: {  	_ =	sfence.sel $0x180000  }
0x33: {  	[bflag:$0x0] =	sbarrier.arrive $0xFFFF  }
0x34: {  	p0 =	sne.s32 s2, $0x0;
	_ =	strace $0x9000004D  }
0x35: {  	s0 =	sadd.s32 @!p0 $0x100000, s0;
	[bflag:$0x2] =	sbarrier.arrive $0xFFFF  }
0x36: {  	[sflag:s0] =	ssyncadd.tile.s32 @!p0 $0x1;
	_ =	shalt  }
.Lfunc_end2:
_tile_overlayer_lowered:
.L_overlay_start_2:
0x37: {  	(tag) =	ssettag $0x2  }
0x38: {  	s0 =	rddreg [dreg:$0x0];
	s2 =	stileid.u32  }
0x39: {  	s1 =	rddreg [dreg:$0x1];
	p0 =	sne.s32 s2, $0x0  }
0x3a: {  	s3 =	rddreg [dreg:$0x2];
	[bflag:$0x3] =	sbarrier.arrive $0xFFFF;
	s2 =	simm.s32 @!p0 $0x1C02  }
0x3b: {  	[timem:s3], [sflag:s2] =	dma.local @!p0 [hbm:s0], s1  }
0x3c: {  	s0 =	simm.s32 @!p0 $0x2  }
0x3d: {  	_ =	swait.ge @!p0 [sflag:s0], s1  }
0x3e: {  	s1 =	ssub.s32 @!p0 $0x0, s1;
	[sflag:s0] =	ssyncset.done @!p0 $0x0  }
0x3f: {  	[sflag:s0] =	ssyncadd.s32 @!p0 s1  }
0x40: {  	[bflag:$0x3] =	sbarrier.arrive $0xFFFF  }
0x41: {  	_ =	shalt  }

</sc_bundles>
